<compile_context>
chip_gen: v7x
topology: tpu7x:2x2x1
jax: 0.10.2.dev20260603
libtpu: 0.0.44.dev20260713+nightly
codegen_flags: <defaults>
</compile_context>

<pallas_src>
import functools

import jax
import jax.numpy as jnp
from jax import lax
from jax.experimental import pallas as pl
from jax.experimental.pallas import tpu as pltpu
from jax.experimental.pallas import tpu_sc as plsc

_N = 100000
_E = 1600000
_EMB = 32
_HID = 64
_G = 1024

_NPAD = 114688
_IDROWS = _NPAD // 128
_EPAD = 1605632
_EROWS = _EPAD // 128

_NREAL = 100352
_DACC = _NREAL + 128
_CH1 = 50176
_CH2 = 25088
_PACC = _G + 128

_MESH = plsc.VectorSubcoreMesh(core_axis_name="c", subcore_axis_name="s")
_f32 = jnp.float32
_i32 = jnp.int32



@functools.partial(
    pl.kernel,
    out_type=jax.ShapeDtypeStruct((4 * _NPAD, 128), _f32),
    mesh=_MESH,
    scratch_types=[
        pltpu.VMEM((128,), _i32),
        pltpu.VMEM((128, 128), _f32),
        pltpu.SemaphoreType.DMA,
    ],
)
def _sc_embed(fused_hbm, fidq_hbm, out_hbm, idx_v, rows_v, sem):
    wid = lax.axis_index("s") * 2 + lax.axis_index("c")

    @pl.loop(0, 112)
    def _chunk(j):
        base = wid * (112 * 128) + j * 128
        pltpu.sync_copy(fidq_hbm.at[pl.ds(base, 128)], idx_v)
        pltpu.async_copy(fused_hbm.at[idx_v], rows_v, sem).wait()
        pltpu.sync_copy(rows_v, out_hbm.at[pl.ds(base, 128), :])


_DROWS = 896


@functools.partial(
    pl.kernel,
    out_type=jax.ShapeDtypeStruct((2, _DROWS, 128), _f32),
    mesh=_MESH,
    scratch_types=[
        pltpu.VMEM((128,), _i32),
        pltpu.VMEM((128,), _i32),
        pltpu.VMEM((128, 128), _f32),
        pltpu.VMEM_SHARED((_DROWS, 128), _f32),
        pltpu.SemaphoreType.DMA,
    ],
)
def _sc_deg(eye_hbm, dlo_hbm, dhi_hbm, z_hbm, out_hbm, lo_v, hi_v, rows_v,
            dacc, sem):
    core = lax.axis_index("c")
    sub = lax.axis_index("s")
    zr = _DROWS // 16
    pltpu.sync_copy(z_hbm.at[pl.ds(sub * zr, zr), :],
                    dacc.at[pl.ds(sub * zr, zr), :])
    plsc.subcore_barrier()

    @pl.loop(0, 392)
    def _blk(j):
        base = (core * 6272 + sub * 392 + j) * 128
        pltpu.sync_copy(dlo_hbm.at[pl.ds(base, 128)], lo_v)
        pltpu.sync_copy(dhi_hbm.at[pl.ds(base, 128)], hi_v)
        pltpu.async_copy(eye_hbm.at[lo_v], rows_v, sem).wait()
        pltpu.sync_copy(rows_v, dacc.at[hi_v], add=True)

    plsc.subcore_barrier()
    pltpu.sync_copy(dacc.at[pl.ds(sub * zr, zr), :],
                    out_hbm.at[core, pl.ds(sub * zr, zr), :])


def _make_sc_agg(logslots, ch, nchunk):
    arows = ch >> logslots
    acc_rows = arows + 128
    zrows = acc_rows // 16
    orows = arows // 16
    out_rows = _NPAD >> logslots

    @functools.partial(
        pl.kernel,
        out_type=jax.ShapeDtypeStruct((out_rows, 128), _f32),
        mesh=_MESH,
        scratch_types=[
            pltpu.VMEM((128,), _i32),
            pltpu.VMEM((128,), _i32),
            pltpu.VMEM((128, 128), _f32),
            pltpu.VMEM_SHARED((acc_rows, 128), _f32),
            pltpu.SemaphoreType.DMA,
        ],
    )
    def _sc_agg(x_hbm, gb_hbm, ib_hbm, z_hbm, out_hbm, gi_v, ii_v,
                rows_v, acc, sem):
        core = lax.axis_index("c")
        sub = lax.axis_index("s")
        for r in range(nchunk):
            chunk = core * nchunk + r
            pltpu.sync_copy(z_hbm.at[pl.ds(sub * zrows, zrows), :],
                            acc.at[pl.ds(sub * zrows, zrows), :])
            plsc.subcore_barrier()

            @pl.loop(0, 784)
            def _blk(j):
                base = (sub * 784 + j) * 128
                pltpu.sync_copy(gb_hbm.at[pl.ds(base, 128)], gi_v)
                pltpu.sync_copy(ib_hbm.at[pl.ds(chunk * _EPAD + base, 128)],
                                ii_v)
                pltpu.async_copy(x_hbm.at[gi_v], rows_v, sem).wait()
                pltpu.sync_copy(rows_v, acc.at[ii_v], add=True)

            plsc.subcore_barrier()
            pltpu.sync_copy(
                acc.at[pl.ds(sub * orows, orows), :],
                out_hbm.at[pl.ds(chunk * arows + sub * orows, orows), :])
            plsc.subcore_barrier()

    return _sc_agg


_sc_agg1 = _make_sc_agg(2, _CH1, 1)
_sc_agg2 = _make_sc_agg(1, _CH2, 2)


@functools.partial(
    pl.kernel,
    out_type=jax.ShapeDtypeStruct((2, _G, 128), _f32),
    mesh=_MESH,
    scratch_types=[
        pltpu.VMEM((128,), _i32),
        pltpu.VMEM((128, 128), _f32),
        pltpu.VMEM_SHARED((_PACC, 128), _f32),
    ],
)
def _sc_pool(x2_hbm, bat_hbm, z_hbm, out_hbm, idx_v, rows_v, pacc):
    core = lax.axis_index("c")
    sub = lax.axis_index("s")
    zr = _PACC // 16
    pltpu.sync_copy(z_hbm.at[pl.ds(sub * zr, zr), :],
                    pacc.at[pl.ds(sub * zr, zr), :])
    plsc.subcore_barrier()

    @pl.loop(0, 28)
    def _blk(j):
        base = (core * 448 + sub * 28 + j) * 128
        pltpu.sync_copy(bat_hbm.at[pl.ds(base, 128)], idx_v)
        pltpu.sync_copy(x2_hbm.at[pl.ds(base, 128), :], rows_v)
        pltpu.sync_copy(rows_v, pacc.at[idx_v], add=True)

    plsc.subcore_barrier()
    pltpu.sync_copy(pacc.at[pl.ds(sub * 64, 64), :],
                    out_hbm.at[core, pl.ds(sub * 64, 64), :])



def _tc_dense(x, agg, degp, WlT, b2d, WrT, col, dup):
    m = x.shape[0]
    d = agg.shape[1]
    bn = 2048
    nout = 2 if dup else 1

    def body(x_ref, a_ref, d_ref, wl_ref, b_ref, wr_ref, c_ref, o_ref):
        d16 = d_ref[0] + d_ref[1]
        deg = jnp.sum(d16, axis=1, keepdims=True) * (1.0 / 16.0)
        r = 1.0 / jnp.maximum(deg, 1.0)
        mean = a_ref[...] * r
        y = (jnp.dot(mean, wl_ref[...], preferred_element_type=_f32)
             + b_ref[...]
             + jnp.dot(x_ref[...], wr_ref[...], preferred_element_type=_f32))
        out = jnp.maximum(y, 0.0) + c_ref[...]
        o_ref[0] = out
        if dup:
            h = out[:, :_HID]
            o_ref[1] = jnp.concatenate([jnp.zeros_like(h), h], axis=1)

    return pl.pallas_call(
        body,
        grid=(m // bn,),
        in_specs=[
            pl.BlockSpec((bn, 128), lambda i: (i, 0)),
            pl.BlockSpec((bn, d), lambda i: (i, 0)),
            pl.BlockSpec((2, bn, 16), lambda i: (0, i, 0)),
            pl.BlockSpec((d, 128), lambda i: (0, 0)),
            pl.BlockSpec((1, 128), lambda i: (0, 0)),
            pl.BlockSpec((128, 128), lambda i: (0, 0)),
            pl.BlockSpec((1, 128), lambda i: (0, 0)),
        ],
        out_specs=pl.BlockSpec((nout, bn, 128), lambda i: (0, i, 0)),
        out_shape=jax.ShapeDtypeStruct((nout, m, 128), _f32),
    )(x, agg, degp, WlT, b2d, WrT, col)


def _tc_head(sp, wT, b2d, fmask, cmask):
    def body(s_ref, w_ref, b_ref, fm_ref, cm_ref, o_ref):
        s = s_ref[0] + s_ref[1]
        cnt = jnp.sum(s * cm_ref[...], axis=1, keepdims=True)
        pooled = s * fm_ref[...] / jnp.maximum(cnt, 1.0)
        o_ref[...] = jnp.dot(pooled, w_ref[...],
                             preferred_element_type=_f32) + b_ref[...]

    return pl.pallas_call(
        body,
        out_shape=jax.ShapeDtypeStruct((_G, 128), _f32),
    )(sp, wT, b2d, fmask, cmask)



def kernel(shape_ids, color_ids, edge_index, batch, emb_shape, emb_color,
           Wl1, bl1, Wr1, Wl2, bl2, Wr2, Wlin, blin):
    pad_n = _NPAD - _N
    pad_e = _EPAD - _E

    fid = jnp.concatenate(
        [shape_ids.astype(_i32) * 16 + color_ids.astype(_i32),
         jnp.zeros((pad_n,), _i32)])
    fidq = (fid[None, :]
            + (1024 * jnp.arange(4, dtype=_i32))[:, None]).reshape(-1)
    bat = jnp.concatenate(
        [batch.astype(_i32),
         _G + (jnp.arange(pad_n, dtype=_i32) & 15)])
    srcp = jnp.concatenate(
        [edge_index[0].astype(_i32), jnp.zeros((pad_e,), _i32)])
    dstp = jnp.concatenate(
        [edge_index[1].astype(_i32),
         _NREAL + (jnp.arange(pad_e, dtype=_i32) & 15)])

    def agg_idx(logslots, ch, nchunks):
        arows = ch >> logslots
        ibs = []
        for c in range(nchunks):
            lo = c * ch
            ok = (dstp >= lo) & (dstp < lo + ch)
            ibs.append(jnp.where(ok, (dstp - lo) >> logslots,
                                 arows + (dstp & 15)))
        return jnp.stack(ibs).reshape(-1)

    gb1 = srcp + (dstp & 3) * _NPAD
    ib1 = agg_idx(2, _CH1, 2)
    gb2 = srcp + (dstp & 1) * _NPAD
    ib2 = agg_idx(1, _CH2, 4)

    fused = (emb_shape[:, None, :] + emb_color[None, :, :]).reshape(-1, _EMB)
    fusedq = jnp.zeros((4, 1024, 128), _f32)
    for k in range(4):
        fusedq = fusedq.at[k, :, 32 * k:32 * k + 32].set(fused)
    fusedq = fusedq.reshape(4096, 128)

    eye = jnp.eye(128, dtype=_f32)
    dlo = dstp & 127
    dhi = dstp >> 7
    zdeg = jnp.zeros((_DROWS, 128), _f32)
    z1 = jnp.zeros(((_CH1 >> 2) + 128, 128), _f32)
    z2 = jnp.zeros(((_CH2 >> 1) + 128, 128), _f32)
    zp = jnp.zeros((_PACC, 128), _f32)

    def padw(WT, h, w):
        return jnp.zeros((h, w), _f32).at[:WT.shape[0], :WT.shape[1]].set(WT)

    col0 = jnp.zeros((1, 128), _f32)
    col64 = jnp.zeros((1, 128), _f32).at[0, _HID].set(1.0)
    fmask = jnp.zeros((1, 128), _f32).at[0, :_HID].set(1.0)
    cmask = jnp.zeros((1, 128), _f32).at[0, _HID].set(1.0)

    xq = _sc_embed(fusedq, fidq)
    x0 = xq[:_NPAD]
    dago = _sc_deg(eye, dlo, dhi, zdeg)
    degv = (dago[0] + dago[1]).reshape(-1)
    degp = jnp.zeros((2, _NPAD, 16), _f32).at[0].set(
        jnp.repeat(degv[:, None], 16, axis=1))

    agg1 = _sc_agg1(xq, gb1, ib1, z1).reshape(_NPAD, _EMB)
    x1d = _tc_dense(x0, agg1, degp, padw(Wl1.T, _EMB, 128),
                    padw(bl1.reshape(1, -1), 1, 128),
                    padw(Wr1.T, 128, 128), col0, True)

    agg2 = _sc_agg2(x1d.reshape(2 * _NPAD, 128), gb2, ib2,
                    z2).reshape(_NPAD, _HID)
    x2 = _tc_dense(x1d[0], agg2, degp, padw(Wl2.T, _HID, 128),
                   padw(bl2.reshape(1, -1), 1, 128),
                   padw(Wr2.T, 128, 128), col64, False)[0]

    sp = _sc_pool(x2, bat, zp)
    out = _tc_head(sp, padw(Wlin.T, 128, 128),
                   padw(blin.reshape(1, -1), 1, 128), fmask, cmask)
    return out[:, :Wlin.shape[0]]

# --- scband reference (transcript-rebuilt; emitter-appended) ---
"""Pipeline reference for scband-gnnclassifier-88648124990985 (READ-ONLY COPY).

The authoritative reference and input builder live on the scoring server;
editing this copy changes nothing except your own understanding.
"""

import jax, jax.numpy as jnp
import numpy as np

N = 100000
E = 1600000
EMB = 32
HID = 64
NCLS = 2
NSHAPE = 64
NCOLOR = 16
G = 1024


def setup_inputs(seed: int = 0) -> dict:
    key = jax.random.key(seed)
    ks = jax.random.split(key, 14)
    shape_ids = jax.random.randint(ks[0], (N,), 0, NSHAPE)
    color_ids = jax.random.randint(ks[1], (N,), 0, NCOLOR)
    edge_index = jax.random.randint(ks[2], (2, E), 0, N)
    batch = jnp.sort(jax.random.randint(ks[3], (N,), 0, G))
    emb_shape = jax.random.normal(ks[4], (NSHAPE, EMB), dtype=jnp.float32) * 0.05
    emb_color = jax.random.normal(ks[5], (NCOLOR, EMB), dtype=jnp.float32) * 0.05
    Wl1 = jax.random.normal(ks[6], (HID, EMB), dtype=jnp.float32) * 0.05
    bl1 = jnp.zeros((HID,), dtype=jnp.float32)
    Wr1 = jax.random.normal(ks[7], (HID, EMB), dtype=jnp.float32) * 0.05
    Wl2 = jax.random.normal(ks[8], (HID, HID), dtype=jnp.float32) * 0.05
    bl2 = jnp.zeros((HID,), dtype=jnp.float32)
    Wr2 = jax.random.normal(ks[9], (HID, HID), dtype=jnp.float32) * 0.05
    Wlin = jax.random.normal(ks[10], (NCLS, HID), dtype=jnp.float32) * 0.05
    blin = jnp.zeros((NCLS,), dtype=jnp.float32)
    return {
        "shape_ids": shape_ids, "color_ids": color_ids, "edge_index": edge_index, "batch": batch,
        "emb_shape": emb_shape, "emb_color": emb_color,
        "Wl1": Wl1, "bl1": bl1, "Wr1": Wr1,
        "Wl2": Wl2, "bl2": bl2, "Wr2": Wr2,
        "Wlin": Wlin, "blin": blin,
    }


def _sage_conv(x, src, dst, Wl, bl, Wr, n_nodes):
    # PyG SAGEConv with mean aggregation:
    # out = lin_l(mean_{j in N(i)} x_j) + lin_r(x_i), lin_l has bias.
    msg = x[src]
    agg = jax.ops.segment_sum(msg, dst, num_segments=n_nodes)
    deg = jax.ops.segment_sum(jnp.ones((src.shape[0],), dtype=x.dtype), dst, num_segments=n_nodes)
    mean = agg / jnp.maximum(deg, 1.0)[:, None]
    return mean @ Wl.T + bl + x @ Wr.T


def reference(shape_ids, color_ids, edge_index, batch, emb_shape, emb_color,
              Wl1, bl1, Wr1, Wl2, bl2, Wr2, Wlin, blin):
    x = emb_shape[shape_ids] + emb_color[color_ids]
    src = edge_index[0]
    dst = edge_index[1]
    x = jax.nn.relu(_sage_conv(x, src, dst, Wl1, bl1, Wr1, N))
    # dropout is identity in eval mode
    x = jax.nn.relu(_sage_conv(x, src, dst, Wl2, bl2, Wr2, N))
    # global_mean_pool over graph ids
    s = jax.ops.segment_sum(x, batch, num_segments=G)
    cnt = jax.ops.segment_sum(jnp.ones((N,), dtype=x.dtype), batch, num_segments=G)
    pooled = s / jnp.maximum(cnt, 1.0)[:, None]
    return pooled @ Wlin.T + blin

if __name__ == "__main__":
    import jax
    _d = setup_inputs()
    print(jax.jit(kernel)(*tuple(_d.values())))

</pallas_src>

<mosaic_0001>
#map = affine_map<(d0, d1) -> (0, 0)>
#map1 = affine_map<(d0, d1) -> (0)>
module attributes {stable_mosaic.version = 14 : i64} {
  func.func @_sc_agg(%arg0: i32, %arg1: i32, %arg2: memref<458752x128xf32, #tpu.memory_space<hbm>>, %arg3: memref<1605632xi32, #tpu.memory_space<hbm>>, %arg4: memref<3211264xi32, #tpu.memory_space<hbm>>, %arg5: memref<12672x128xf32, #tpu.memory_space<hbm>>, %arg6: memref<28672x128xf32, #tpu.memory_space<hbm>>, %arg7: memref<128xi32, #tpu.memory_space<vmem>>, %arg8: memref<128xi32, #tpu.memory_space<vmem>>, %arg9: memref<128x128xf32, #tpu.memory_space<vmem>>, %arg10: memref<12672x128xf32, #tpu.memory_space<vmem_shared>>, %arg11: memref<!tpu.dma_semaphore, #tpu.memory_space<semaphore_mem>>) attributes {dimension_semantics = [#tpu.dimension_semantics<core_parallel>, #tpu.dimension_semantics<subcore_parallel>], iteration_bounds = array<i64: 2, 16>, scalar_prefetch = 0 : i64, scratch_operands = 5 : i64, tpu.core_type = #tpu.core_type<sc_vector_subcore>, window_params = [{transform_indices = #map}, {transform_indices = #map1}, {transform_indices = #map1}, {transform_indices = #map}, {transform_indices = #map}]} {
    %mul3A = arith.constant 1 : i32
    %mul3A_0 = arith.muli %arg0, %mul3A : i32
    %add3A = arith.constant 0 : i32
    %add3A_1 = arith.addi %mul3A_0, %add3A : i32
    %mul3A_2 = arith.constant 792 : i32
    %mul3A_3 = arith.muli %arg1, %mul3A_2 : i32
    %mul3A_4 = arith.constant 792 : i32
    %mul3A_5 = arith.muli %arg1, %mul3A_4 : i32
    "tpu.region"() ({
      %run_scoped3A = tpu.sem_alloc : memref<!tpu.dma_semaphore, #tpu.memory_space<semaphore_mem>>
      %dma_start3A = arith.constant 0 : i32
      %dma_start3A_19 = tpu.memref_slice %arg10[%mul3A_5, %dma_start3A] : memref<12672x128xf32, #tpu.memory_space<vmem_shared>> -> memref<792x128xf32, #tpu.memory_space<vmem_shared>>
      %dma_start3A_20 = arith.constant 0 : i32
      %dma_start3A_21 = tpu.memref_slice %arg5[%mul3A_3, %dma_start3A_20] : memref<12672x128xf32, #tpu.memory_space<hbm>> -> memref<792x128xf32, #tpu.memory_space<hbm>>
      tpu.enqueue_dma source(%dma_start3A_21 : memref<792x128xf32, #tpu.memory_space<hbm>>) target(%dma_start3A_19 : memref<792x128xf32, #tpu.memory_space<vmem_shared>>) target_semaphore(%run_scoped3A : memref<!tpu.dma_semaphore, #tpu.memory_space<semaphore_mem>>)
      %dma_wait3A = arith.constant 0 : i32
      %dma_wait3A_22 = tpu.memref_slice %arg10[%mul3A_5, %dma_wait3A] : memref<12672x128xf32, #tpu.memory_space<vmem_shared>> -> memref<792x128xf32, #tpu.memory_space<vmem_shared>>
      %dma_wait3A_23 = arith.constant 0 : i32
      %dma_wait3A_24 = tpu.memref_slice %arg5[%mul3A_3, %dma_wait3A_23] : memref<12672x128xf32, #tpu.memory_space<hbm>> -> memref<792x128xf32, #tpu.memory_space<hbm>>
      tpu.wait_dma2 semaphore(%run_scoped3A : memref<!tpu.dma_semaphore, #tpu.memory_space<semaphore_mem>>) src(%dma_wait3A_24 : memref<792x128xf32, #tpu.memory_space<hbm>>) dst(%dma_wait3A_22 : memref<792x128xf32, #tpu.memory_space<vmem_shared>>)
      tpu.yield
    }) : () -> ()
    %barrier3A = arith.constant 0 : index
    tpu.barrier barrier_id(%barrier3A)
    %scan3A = arith.constant 0 : i32
    %scan3A_6 = arith.constant 784 : i32
    %scan3A_7 = arith.addi %scan3A, %scan3A_6 : i32
    %scan3A_8 = arith.constant 1 : i32
    scf.for %scan3A_19 = %scan3A to %scan3A_7 step %scan3A_8  : i32 {
      %mul3A_20 = arith.constant 1 : i32
      %mul3A_21 = arith.muli %scan3A_19, %mul3A_20 : i32
      %add3A_22 = arith.constant 0 : i32
      %add3A_23 = arith.addi %add3A_22, %mul3A_21 : i32
      %mul3A_24 = arith.constant 784 : i32
      %mul3A_25 = arith.muli %arg1, %mul3A_24 : i32
      %add3A_26 = arith.addi %mul3A_25, %add3A_23 : i32
      %mul3A_27 = arith.constant 128 : i32
      %mul3A_28 = arith.muli %add3A_26, %mul3A_27 : i32
      "tpu.region"() ({
        %run_scoped3A = tpu.sem_alloc : memref<!tpu.dma_semaphore, #tpu.memory_space<semaphore_mem>>
        %dma_start3A_36 = tpu.memref_slice %arg3[%mul3A_28] : memref<1605632xi32, #tpu.memory_space<hbm>> -> memref<128xi32, #tpu.memory_space<hbm>>
        %dma_start3A_37 = tpu.memref_slice %arg3[%mul3A_28] : memref<1605632xi32, #tpu.memory_space<hbm>> -> memref<128xi32, #tpu.memory_space<hbm>>
        tpu.enqueue_dma source(%dma_start3A_37 : memref<128xi32, #tpu.memory_space<hbm>>) target(%arg7 : memref<128xi32, #tpu.memory_space<vmem>>) target_semaphore(%run_scoped3A : memref<!tpu.dma_semaphore, #tpu.memory_space<semaphore_mem>>)
        %dma_wait3A_38 = tpu.memref_slice %arg3[%mul3A_28] : memref<1605632xi32, #tpu.memory_space<hbm>> -> memref<128xi32, #tpu.memory_space<hbm>>
        %dma_wait3A_39 = tpu.memref_slice %arg3[%mul3A_28] : memref<1605632xi32, #tpu.memory_space<hbm>> -> memref<128xi32, #tpu.memory_space<hbm>>
        tpu.wait_dma2 semaphore(%run_scoped3A : memref<!tpu.dma_semaphore, #tpu.memory_space<semaphore_mem>>) src(%dma_wait3A_39 : memref<128xi32, #tpu.memory_space<hbm>>) dst(%arg7 : memref<128xi32, #tpu.memory_space<vmem>>)
        tpu.yield
      }) : () -> ()
      %mul3A_29 = arith.constant 1605632 : i32
      %mul3A_30 = arith.muli %add3A_1, %mul3A_29 : i32
      %add3A_31 = arith.addi %mul3A_30, %mul3A_28 : i32
      "tpu.region"() ({
        %run_scoped3A = tpu.sem_alloc : memref<!tpu.dma_semaphore, #tpu.memory_space<semaphore_mem>>
        %dma_start3A_36 = tpu.memref_slice %arg4[%add3A_31] : memref<3211264xi32, #tpu.memory_space<hbm>> -> memref<128xi32, #tpu.memory_space<hbm>>
        %dma_start3A_37 = tpu.memref_slice %arg4[%add3A_31] : memref<3211264xi32, #tpu.memory_space<hbm>> -> memref<128xi32, #tpu.memory_space<hbm>>
        tpu.enqueue_dma source(%dma_start3A_37 : memref<128xi32, #tpu.memory_space<hbm>>) target(%arg8 : memref<128xi32, #tpu.memory_space<vmem>>) target_semaphore(%run_scoped3A : memref<!tpu.dma_semaphore, #tpu.memory_space<semaphore_mem>>)
        %dma_wait3A_38 = tpu.memref_slice %arg4[%add3A_31] : memref<3211264xi32, #tpu.memory_space<hbm>> -> memref<128xi32, #tpu.memory_space<hbm>>
        %dma_wait3A_39 = tpu.memref_slice %arg4[%add3A_31] : memref<3211264xi32, #tpu.memory_space<hbm>> -> memref<128xi32, #tpu.memory_space<hbm>>
        tpu.wait_dma2 semaphore(%run_scoped3A : memref<!tpu.dma_semaphore, #tpu.memory_space<semaphore_mem>>) src(%dma_wait3A_39 : memref<128xi32, #tpu.memory_space<hbm>>) dst(%arg8 : memref<128xi32, #tpu.memory_space<vmem>>)
        tpu.yield
      }) : () -> ()
      %dma_start3A = arith.constant 0 : i32
      %dma_start3A_32 = arith.constant 0 : i32
      %dma_start3A_33 = tpu.memref_slice %arg2[%dma_start3A, %dma_start3A_32] : memref<458752x128xf32, #tpu.memory_space<hbm>> -> memref<458752x128xf32, #tpu.memory_space<hbm>>
      tpu.enqueue_indirect_dma source(%dma_start3A_33 : memref<458752x128xf32, #tpu.memory_space<hbm>>) target(%arg9 : memref<128x128xf32, #tpu.memory_space<vmem>>) offsets(%arg7 : memref<128xi32, #tpu.memory_space<vmem>>) semaphore(%arg11 : memref<!tpu.dma_semaphore, #tpu.memory_space<semaphore_mem>>)
      %dma_wait3A = arith.constant 0 : i32
      %dma_wait3A_34 = arith.constant 0 : i32
      %dma_wait3A_35 = tpu.memref_slice %arg2[%dma_wait3A, %dma_wait3A_34] : memref<458752x128xf32, #tpu.memory_space<hbm>> -> memref<458752x128xf32, #tpu.memory_space<hbm>>
      tpu.wait_indirect_dma semaphore(%arg11 : memref<!tpu.dma_semaphore, #tpu.memory_space<semaphore_mem>>) src(%dma_wait3A_35 : memref<458752x128xf32, #tpu.memory_space<hbm>>) dst(%arg9 : memref<128x128xf32, #tpu.memory_space<vmem>>)
      "tpu.region"() ({
        %run_scoped3A = tpu.sem_alloc : memref<!tpu.dma_semaphore, #tpu.memory_space<semaphore_mem>>
        %dma_start3A_36 = arith.constant 0 : i32
        %dma_start3A_37 = arith.constant 0 : i32
        %dma_start3A_38 = tpu.memref_slice %arg10[%dma_start3A_36, %dma_start3A_37] : memref<12672x128xf32, #tpu.memory_space<vmem_shared>> -> memref<12672x128xf32, #tpu.memory_space<vmem_shared>>
        tpu.enqueue_indirect_dma source(%arg9 : memref<128x128xf32, #tpu.memory_space<vmem>>) target(%dma_start3A_38 : memref<12672x128xf32, #tpu.memory_space<vmem_shared>>) offsets(%arg8 : memref<128xi32, #tpu.memory_space<vmem>>) semaphore(%run_scoped3A : memref<!tpu.dma_semaphore, #tpu.memory_space<semaphore_mem>>) {add = true}
        %dma_wait3A_39 = arith.constant 0 : i32
        %dma_wait3A_40 = arith.constant 0 : i32
        %dma_wait3A_41 = tpu.memref_slice %arg10[%dma_wait3A_39, %dma_wait3A_40] : memref<12672x128xf32, #tpu.memory_space<vmem_shared>> -> memref<12672x128xf32, #tpu.memory_space<vmem_shared>>
        tpu.wait_indirect_dma semaphore(%run_scoped3A : memref<!tpu.dma_semaphore, #tpu.memory_space<semaphore_mem>>) src(%arg9 : memref<128x128xf32, #tpu.memory_space<vmem>>) dst(%dma_wait3A_41 : memref<12672x128xf32, #tpu.memory_space<vmem_shared>>)
        tpu.yield
      }) : () -> ()
    }
    %scan3A_9 = arith.constant 784 : i32
    %barrier3A_10 = arith.constant 0 : index
    tpu.barrier barrier_id(%barrier3A_10)
    %mul3A_11 = arith.constant 784 : i32
    %mul3A_12 = arith.muli %arg1, %mul3A_11 : i32
    %mul3A_13 = arith.constant 12544 : i32
    %mul3A_14 = arith.muli %add3A_1, %mul3A_13 : i32
    %mul3A_15 = arith.constant 784 : i32
    %mul3A_16 = arith.muli %arg1, %mul3A_15 : i32
    %add3A_17 = arith.addi %mul3A_14, %mul3A_16 : i32
    "tpu.region"() ({
      %run_scoped3A = tpu.sem_alloc : memref<!tpu.dma_semaphore, #tpu.memory_space<semaphore_mem>>
      %dma_start3A = arith.constant 0 : i32
      %dma_start3A_19 = tpu.memref_slice %arg6[%add3A_17, %dma_start3A] : memref<28672x128xf32, #tpu.memory_space<hbm>> -> memref<784x128xf32, #tpu.memory_space<hbm>>
      %dma_start3A_20 = arith.constant 0 : i32
      %dma_start3A_21 = tpu.memref_slice %arg10[%mul3A_12, %dma_start3A_20] : memref<12672x128xf32, #tpu.memory_space<vmem_shared>> -> memref<784x128xf32, #tpu.memory_space<vmem_shared>>
      tpu.enqueue_dma source(%dma_start3A_21 : memref<784x128xf32, #tpu.memory_space<vmem_shared>>) target(%dma_start3A_19 : memref<784x128xf32, #tpu.memory_space<hbm>>) target_semaphore(%run_scoped3A : memref<!tpu.dma_semaphore, #tpu.memory_space<semaphore_mem>>)
      %dma_wait3A = arith.constant 0 : i32
      %dma_wait3A_22 = tpu.memref_slice %arg6[%add3A_17, %dma_wait3A] : memref<28672x128xf32, #tpu.memory_space<hbm>> -> memref<784x128xf32, #tpu.memory_space<hbm>>
      %dma_wait3A_23 = arith.constant 0 : i32
      %dma_wait3A_24 = tpu.memref_slice %arg10[%mul3A_12, %dma_wait3A_23] : memref<12672x128xf32, #tpu.memory_space<vmem_shared>> -> memref<784x128xf32, #tpu.memory_space<vmem_shared>>
      tpu.wait_dma2 semaphore(%run_scoped3A : memref<!tpu.dma_semaphore, #tpu.memory_space<semaphore_mem>>) src(%dma_wait3A_24 : memref<784x128xf32, #tpu.memory_space<vmem_shared>>) dst(%dma_wait3A_22 : memref<784x128xf32, #tpu.memory_space<hbm>>)
      tpu.yield
    }) : () -> ()
    %barrier3A_18 = arith.constant 0 : index
    tpu.barrier barrier_id(%barrier3A_18)
    return
  }
}

#map = affine_map<(d0, d1) -> (0, 0)>
#map1 = affine_map<(d0, d1) -> (0)>
module attributes {stable_mosaic.version = 14 : i64} {
  func.func @_sc_agg(%arg0: i32, %arg1: i32, %arg2: memref<229376x128xf32, #tpu.memory_space<hbm>>, %arg3: memref<1605632xi32, #tpu.memory_space<hbm>>, %arg4: memref<6422528xi32, #tpu.memory_space<hbm>>, %arg5: memref<12672x128xf32, #tpu.memory_space<hbm>>, %arg6: memref<57344x128xf32, #tpu.memory_space<hbm>>, %arg7: memref<128xi32, #tpu.memory_space<vmem>>, %arg8: memref<128xi32, #tpu.memory_space<vmem>>, %arg9: memref<128x128xf32, #tpu.memory_space<vmem>>, %arg10: memref<12672x128xf32, #tpu.memory_space<vmem_shared>>, %arg11: memref<!tpu.dma_semaphore, #tpu.memory_space<semaphore_mem>>) attributes {dimension_semantics = [#tpu.dimension_semantics<core_parallel>, #tpu.dimension_semantics<subcore_parallel>], iteration_bounds = array<i64: 2, 16>, scalar_prefetch = 0 : i64, scratch_operands = 5 : i64, tpu.core_type = #tpu.core_type<sc_vector_subcore>, window_params = [{transform_indices = #map}, {transform_indices = #map1}, {transform_indices = #map1}, {transform_indices = #map}, {transform_indices = #map}]} {
    %mul3A = arith.constant 2 : i32
    %mul3A_0 = arith.muli %arg0, %mul3A : i32
    %add3A = arith.constant 0 : i32
    %add3A_1 = arith.addi %mul3A_0, %add3A : i32
    %mul3A_2 = arith.constant 792 : i32
    %mul3A_3 = arith.muli %arg1, %mul3A_2 : i32
    %mul3A_4 = arith.constant 792 : i32
    %mul3A_5 = arith.muli %arg1, %mul3A_4 : i32
    "tpu.region"() ({
      %run_scoped3A = tpu.sem_alloc : memref<!tpu.dma_semaphore, #tpu.memory_space<semaphore_mem>>
      %dma_start3A = arith.constant 0 : i32
      %dma_start3A_42 = tpu.memref_slice %arg10[%mul3A_5, %dma_start3A] : memref<12672x128xf32, #tpu.memory_space<vmem_shared>> -> memref<792x128xf32, #tpu.memory_space<vmem_shared>>
      %dma_start3A_43 = arith.constant 0 : i32
      %dma_start3A_44 = tpu.memref_slice %arg5[%mul3A_3, %dma_start3A_43] : memref<12672x128xf32, #tpu.memory_space<hbm>> -> memref<792x128xf32, #tpu.memory_space<hbm>>
      tpu.enqueue_dma source(%dma_start3A_44 : memref<792x128xf32, #tpu.memory_space<hbm>>) target(%dma_start3A_42 : memref<792x128xf32, #tpu.memory_space<vmem_shared>>) target_semaphore(%run_scoped3A : memref<!tpu.dma_semaphore, #tpu.memory_space<semaphore_mem>>)
      %dma_wait3A = arith.constant 0 : i32
      %dma_wait3A_45 = tpu.memref_slice %arg10[%mul3A_5, %dma_wait3A] : memref<12672x128xf32, #tpu.memory_space<vmem_shared>> -> memref<792x128xf32, #tpu.memory_space<vmem_shared>>
      %dma_wait3A_46 = arith.constant 0 : i32
      %dma_wait3A_47 = tpu.memref_slice %arg5[%mul3A_3, %dma_wait3A_46] : memref<12672x128xf32, #tpu.memory_space<hbm>> -> memref<792x128xf32, #tpu.memory_space<hbm>>
      tpu.wait_dma2 semaphore(%run_scoped3A : memref<!tpu.dma_semaphore, #tpu.memory_space<semaphore_mem>>) src(%dma_wait3A_47 : memref<792x128xf32, #tpu.memory_space<hbm>>) dst(%dma_wait3A_45 : memref<792x128xf32, #tpu.memory_space<vmem_shared>>)
      tpu.yield
    }) : () -> ()
    %barrier3A = arith.constant 0 : index
    tpu.barrier barrier_id(%barrier3A)
    %scan3A = arith.constant 0 : i32
    %scan3A_6 = arith.constant 784 : i32
    %scan3A_7 = arith.addi %scan3A, %scan3A_6 : i32
    %scan3A_8 = arith.constant 1 : i32
    scf.for %scan3A_42 = %scan3A to %scan3A_7 step %scan3A_8  : i32 {
      %mul3A_43 = arith.constant 1 : i32
      %mul3A_44 = arith.muli %scan3A_42, %mul3A_43 : i32
      %add3A_45 = arith.constant 0 : i32
      %add3A_46 = arith.addi %add3A_45, %mul3A_44 : i32
      %mul3A_47 = arith.constant 784 : i32
      %mul3A_48 = arith.muli %arg1, %mul3A_47 : i32
      %add3A_49 = arith.addi %mul3A_48, %add3A_46 : i32
      %mul3A_50 = arith.constant 128 : i32
      %mul3A_51 = arith.muli %add3A_49, %mul3A_50 : i32
      "tpu.region"() ({
        %run_scoped3A = tpu.sem_alloc : memref<!tpu.dma_semaphore, #tpu.memory_space<semaphore_mem>>
        %dma_start3A_59 = tpu.memref_slice %arg3[%mul3A_51] : memref<1605632xi32, #tpu.memory_space<hbm>> -> memref<128xi32, #tpu.memory_space<hbm>>
        %dma_start3A_60 = tpu.memref_slice %arg3[%mul3A_51] : memref<1605632xi32, #tpu.memory_space<hbm>> -> memref<128xi32, #tpu.memory_space<hbm>>
        tpu.enqueue_dma source(%dma_start3A_60 : memref<128xi32, #tpu.memory_space<hbm>>) target(%arg7 : memref<128xi32, #tpu.memory_space<vmem>>) target_semaphore(%run_scoped3A : memref<!tpu.dma_semaphore, #tpu.memory_space<semaphore_mem>>)
        %dma_wait3A_61 = tpu.memref_slice %arg3[%mul3A_51] : memref<1605632xi32, #tpu.memory_space<hbm>> -> memref<128xi32, #tpu.memory_space<hbm>>
        %dma_wait3A_62 = tpu.memref_slice %arg3[%mul3A_51] : memref<1605632xi32, #tpu.memory_space<hbm>> -> memref<128xi32, #tpu.memory_space<hbm>>
        tpu.wait_dma2 semaphore(%run_scoped3A : memref<!tpu.dma_semaphore, #tpu.memory_space<semaphore_mem>>) src(%dma_wait3A_62 : memref<128xi32, #tpu.memory_space<hbm>>) dst(%arg7 : memref<128xi32, #tpu.memory_space<vmem>>)
        tpu.yield
      }) : () -> ()
      %mul3A_52 = arith.constant 1605632 : i32
      %mul3A_53 = arith.muli %add3A_1, %mul3A_52 : i32
      %add3A_54 = arith.addi %mul3A_53, %mul3A_51 : i32
      "tpu.region"() ({
        %run_scoped3A = tpu.sem_alloc : memref<!tpu.dma_semaphore, #tpu.memory_space<semaphore_mem>>
        %dma_start3A_59 = tpu.memref_slice %arg4[%add3A_54] : memref<6422528xi32, #tpu.memory_space<hbm>> -> memref<128xi32, #tpu.memory_space<hbm>>
        %dma_start3A_60 = tpu.memref_slice %arg4[%add3A_54] : memref<6422528xi32, #tpu.memory_space<hbm>> -> memref<128xi32, #tpu.memory_space<hbm>>
        tpu.enqueue_dma source(%dma_start3A_60 : memref<128xi32, #tpu.memory_space<hbm>>) target(%arg8 : memref<128xi32, #tpu.memory_space<vmem>>) target_semaphore(%run_scoped3A : memref<!tpu.dma_semaphore, #tpu.memory_space<semaphore_mem>>)
        %dma_wait3A_61 = tpu.memref_slice %arg4[%add3A_54] : memref<6422528xi32, #tpu.memory_space<hbm>> -> memref<128xi32, #tpu.memory_space<hbm>>
        %dma_wait3A_62 = tpu.memref_slice %arg4[%add3A_54] : memref<6422528xi32, #tpu.memory_space<hbm>> -> memref<128xi32, #tpu.memory_space<hbm>>
        tpu.wait_dma2 semaphore(%run_scoped3A : memref<!tpu.dma_semaphore, #tpu.memory_space<semaphore_mem>>) src(%dma_wait3A_62 : memref<128xi32, #tpu.memory_space<hbm>>) dst(%arg8 : memref<128xi32, #tpu.memory_space<vmem>>)
        tpu.yield
      }) : () -> ()
      %dma_start3A = arith.constant 0 : i32
      %dma_start3A_55 = arith.constant 0 : i32
      %dma_start3A_56 = tpu.memref_slice %arg2[%dma_start3A, %dma_start3A_55] : memref<229376x128xf32, #tpu.memory_space<hbm>> -> memref<229376x128xf32, #tpu.memory_space<hbm>>
      tpu.enqueue_indirect_dma source(%dma_start3A_56 : memref<229376x128xf32, #tpu.memory_space<hbm>>) target(%arg9 : memref<128x128xf32, #tpu.memory_space<vmem>>) offsets(%arg7 : memref<128xi32, #tpu.memory_space<vmem>>) semaphore(%arg11 : memref<!tpu.dma_semaphore, #tpu.memory_space<semaphore_mem>>)
      %dma_wait3A = arith.constant 0 : i32
      %dma_wait3A_57 = arith.constant 0 : i32
      %dma_wait3A_58 = tpu.memref_slice %arg2[%dma_wait3A, %dma_wait3A_57] : memref<229376x128xf32, #tpu.memory_space<hbm>> -> memref<229376x128xf32, #tpu.memory_space<hbm>>
      tpu.wait_indirect_dma semaphore(%arg11 : memref<!tpu.dma_semaphore, #tpu.memory_space<semaphore_mem>>) src(%dma_wait3A_58 : memref<229376x128xf32, #tpu.memory_space<hbm>>) dst(%arg9 : memref<128x128xf32, #tpu.memory_space<vmem>>)
      "tpu.region"() ({
        %run_scoped3A = tpu.sem_alloc : memref<!tpu.dma_semaphore, #tpu.memory_space<semaphore_mem>>
        %dma_start3A_59 = arith.constant 0 : i32
        %dma_start3A_60 = arith.constant 0 : i32
        %dma_start3A_61 = tpu.memref_slice %arg10[%dma_start3A_59, %dma_start3A_60] : memref<12672x128xf32, #tpu.memory_space<vmem_shared>> -> memref<12672x128xf32, #tpu.memory_space<vmem_shared>>
        tpu.enqueue_indirect_dma source(%arg9 : memref<128x128xf32, #tpu.memory_space<vmem>>) target(%dma_start3A_61 : memref<12672x128xf32, #tpu.memory_space<vmem_shared>>) offsets(%arg8 : memref<128xi32, #tpu.memory_space<vmem>>) semaphore(%run_scoped3A : memref<!tpu.dma_semaphore, #tpu.memory_space<semaphore_mem>>) {add = true}
        %dma_wait3A_62 = arith.constant 0 : i32
        %dma_wait3A_63 = arith.constant 0 : i32
        %dma_wait3A_64 = tpu.memref_slice %arg10[%dma_wait3A_62, %dma_wait3A_63] : memref<12672x128xf32, #tpu.memory_space<vmem_shared>> -> memref<12672x128xf32, #tpu.memory_space<vmem_shared>>
        tpu.wait_indirect_dma semaphore(%run_scoped3A : memref<!tpu.dma_semaphore, #tpu.memory_space<semaphore_mem>>) src(%arg9 : memref<128x128xf32, #tpu.memory_space<vmem>>) dst(%dma_wait3A_64 : memref<12672x128xf32, #tpu.memory_space<vmem_shared>>)
        tpu.yield
      }) : () -> ()
    }
    %scan3A_9 = arith.constant 784 : i32
    %barrier3A_10 = arith.constant 0 : index
    tpu.barrier barrier_id(%barrier3A_10)
    %mul3A_11 = arith.constant 784 : i32
    %mul3A_12 = arith.muli %arg1, %mul3A_11 : i32
    %mul3A_13 = arith.constant 12544 : i32
    %mul3A_14 = arith.muli %add3A_1, %mul3A_13 : i32
    %mul3A_15 = arith.constant 784 : i32
    %mul3A_16 = arith.muli %arg1, %mul3A_15 : i32
    %add3A_17 = arith.addi %mul3A_14, %mul3A_16 : i32
    "tpu.region"() ({
      %run_scoped3A = tpu.sem_alloc : memref<!tpu.dma_semaphore, #tpu.memory_space<semaphore_mem>>
      %dma_start3A = arith.constant 0 : i32
      %dma_start3A_42 = tpu.memref_slice %arg6[%add3A_17, %dma_start3A] : memref<57344x128xf32, #tpu.memory_space<hbm>> -> memref<784x128xf32, #tpu.memory_space<hbm>>
      %dma_start3A_43 = arith.constant 0 : i32
      %dma_start3A_44 = tpu.memref_slice %arg10[%mul3A_12, %dma_start3A_43] : memref<12672x128xf32, #tpu.memory_space<vmem_shared>> -> memref<784x128xf32, #tpu.memory_space<vmem_shared>>
      tpu.enqueue_dma source(%dma_start3A_44 : memref<784x128xf32, #tpu.memory_space<vmem_shared>>) target(%dma_start3A_42 : memref<784x128xf32, #tpu.memory_space<hbm>>) target_semaphore(%run_scoped3A : memref<!tpu.dma_semaphore, #tpu.memory_space<semaphore_mem>>)
      %dma_wait3A = arith.constant 0 : i32
      %dma_wait3A_45 = tpu.memref_slice %arg6[%add3A_17, %dma_wait3A] : memref<57344x128xf32, #tpu.memory_space<hbm>> -> memref<784x128xf32, #tpu.memory_space<hbm>>
      %dma_wait3A_46 = arith.constant 0 : i32
      %dma_wait3A_47 = tpu.memref_slice %arg10[%mul3A_12, %dma_wait3A_46] : memref<12672x128xf32, #tpu.memory_space<vmem_shared>> -> memref<784x128xf32, #tpu.memory_space<vmem_shared>>
      tpu.wait_dma2 semaphore(%run_scoped3A : memref<!tpu.dma_semaphore, #tpu.memory_space<semaphore_mem>>) src(%dma_wait3A_47 : memref<784x128xf32, #tpu.memory_space<vmem_shared>>) dst(%dma_wait3A_45 : memref<784x128xf32, #tpu.memory_space<hbm>>)
      tpu.yield
    }) : () -> ()
    %barrier3A_18 = arith.constant 0 : index
    tpu.barrier barrier_id(%barrier3A_18)
    %mul3A_19 = arith.constant 2 : i32
    %mul3A_20 = arith.muli %arg0, %mul3A_19 : i32
    %add3A_21 = arith.constant 1 : i32
    %add3A_22 = arith.addi %mul3A_20, %add3A_21 : i32
    %mul3A_23 = arith.constant 792 : i32
    %mul3A_24 = arith.muli %arg1, %mul3A_23 : i32
    %mul3A_25 = arith.constant 792 : i32
    %mul3A_26 = arith.muli %arg1, %mul3A_25 : i32
    "tpu.region"() ({
      %run_scoped3A = tpu.sem_alloc : memref<!tpu.dma_semaphore, #tpu.memory_space<semaphore_mem>>
      %dma_start3A = arith.constant 0 : i32
      %dma_start3A_42 = tpu.memref_slice %arg10[%mul3A_26, %dma_start3A] : memref<12672x128xf32, #tpu.memory_space<vmem_shared>> -> memref<792x128xf32, #tpu.memory_space<vmem_shared>>
      %dma_start3A_43 = arith.constant 0 : i32
      %dma_start3A_44 = tpu.memref_slice %arg5[%mul3A_24, %dma_start3A_43] : memref<12672x128xf32, #tpu.memory_space<hbm>> -> memref<792x128xf32, #tpu.memory_space<hbm>>
      tpu.enqueue_dma source(%dma_start3A_44 : memref<792x128xf32, #tpu.memory_space<hbm>>) target(%dma_start3A_42 : memref<792x128xf32, #tpu.memory_space<vmem_shared>>) target_semaphore(%run_scoped3A : memref<!tpu.dma_semaphore, #tpu.memory_space<semaphore_mem>>)
      %dma_wait3A = arith.constant 0 : i32
      %dma_wait3A_45 = tpu.memref_slice %arg10[%mul3A_26, %dma_wait3A] : memref<12672x128xf32, #tpu.memory_space<vmem_shared>> -> memref<792x128xf32, #tpu.memory_space<vmem_shared>>
      %dma_wait3A_46 = arith.constant 0 : i32
      %dma_wait3A_47 = tpu.memref_slice %arg5[%mul3A_24, %dma_wait3A_46] : memref<12672x128xf32, #tpu.memory_space<hbm>> -> memref<792x128xf32, #tpu.memory_space<hbm>>
      tpu.wait_dma2 semaphore(%run_scoped3A : memref<!tpu.dma_semaphore, #tpu.memory_space<semaphore_mem>>) src(%dma_wait3A_47 : memref<792x128xf32, #tpu.memory_space<hbm>>) dst(%dma_wait3A_45 : memref<792x128xf32, #tpu.memory_space<vmem_shared>>)
      tpu.yield
    }) : () -> ()
    %barrier3A_27 = arith.constant 0 : index
    tpu.barrier barrier_id(%barrier3A_27)
    %scan3A_28 = arith.constant 0 : i32
    %scan3A_29 = arith.constant 784 : i32
    %scan3A_30 = arith.addi %scan3A_28, %scan3A_29 : i32
    %scan3A_31 = arith.constant 1 : i32
    scf.for %scan3A_42 = %scan3A_28 to %scan3A_30 step %scan3A_31  : i32 {
      %mul3A_43 = arith.constant 1 : i32
      %mul3A_44 = arith.muli %scan3A_42, %mul3A_43 : i32
      %add3A_45 = arith.constant 0 : i32
      %add3A_46 = arith.addi %add3A_45, %mul3A_44 : i32
      %mul3A_47 = arith.constant 784 : i32
      %mul3A_48 = arith.muli %arg1, %mul3A_47 : i32
      %add3A_49 = arith.addi %mul3A_48, %add3A_46 : i32
      %mul3A_50 = arith.constant 128 : i32
      %mul3A_51 = arith.muli %add3A_49, %mul3A_50 : i32
      "tpu.region"() ({
        %run_scoped3A = tpu.sem_alloc : memref<!tpu.dma_semaphore, #tpu.memory_space<semaphore_mem>>
        %dma_start3A_59 = tpu.memref_slice %arg3[%mul3A_51] : memref<1605632xi32, #tpu.memory_space<hbm>> -> memref<128xi32, #tpu.memory_space<hbm>>
        %dma_start3A_60 = tpu.memref_slice %arg3[%mul3A_51] : memref<1605632xi32, #tpu.memory_space<hbm>> -> memref<128xi32, #tpu.memory_space<hbm>>
        tpu.enqueue_dma source(%dma_start3A_60 : memref<128xi32, #tpu.memory_space<hbm>>) target(%arg7 : memref<128xi32, #tpu.memory_space<vmem>>) target_semaphore(%run_scoped3A : memref<!tpu.dma_semaphore, #tpu.memory_space<semaphore_mem>>)
        %dma_wait3A_61 = tpu.memref_slice %arg3[%mul3A_51] : memref<1605632xi32, #tpu.memory_space<hbm>> -> memref<128xi32, #tpu.memory_space<hbm>>
        %dma_wait3A_62 = tpu.memref_slice %arg3[%mul3A_51] : memref<1605632xi32, #tpu.memory_space<hbm>> -> memref<128xi32, #tpu.memory_space<hbm>>
        tpu.wait_dma2 semaphore(%run_scoped3A : memref<!tpu.dma_semaphore, #tpu.memory_space<semaphore_mem>>) src(%dma_wait3A_62 : memref<128xi32, #tpu.memory_space<hbm>>) dst(%arg7 : memref<128xi32, #tpu.memory_space<vmem>>)
        tpu.yield
      }) : () -> ()
      %mul3A_52 = arith.constant 1605632 : i32
      %mul3A_53 = arith.muli %add3A_22, %mul3A_52 : i32
      %add3A_54 = arith.addi %mul3A_53, %mul3A_51 : i32
      "tpu.region"() ({
        %run_scoped3A = tpu.sem_alloc : memref<!tpu.dma_semaphore, #tpu.memory_space<semaphore_mem>>
        %dma_start3A_59 = tpu.memref_slice %arg4[%add3A_54] : memref<6422528xi32, #tpu.memory_space<hbm>> -> memref<128xi32, #tpu.memory_space<hbm>>
        %dma_start3A_60 = tpu.memref_slice %arg4[%add3A_54] : memref<6422528xi32, #tpu.memory_space<hbm>> -> memref<128xi32, #tpu.memory_space<hbm>>
        tpu.enqueue_dma source(%dma_start3A_60 : memref<128xi32, #tpu.memory_space<hbm>>) target(%arg8 : memref<128xi32, #tpu.memory_space<vmem>>) target_semaphore(%run_scoped3A : memref<!tpu.dma_semaphore, #tpu.memory_space<semaphore_mem>>)
        %dma_wait3A_61 = tpu.memref_slice %arg4[%add3A_54] : memref<6422528xi32, #tpu.memory_space<hbm>> -> memref<128xi32, #tpu.memory_space<hbm>>
        %dma_wait3A_62 = tpu.memref_slice %arg4[%add3A_54] : memref<6422528xi32, #tpu.memory_space<hbm>> -> memref<128xi32, #tpu.memory_space<hbm>>
        tpu.wait_dma2 semaphore(%run_scoped3A : memref<!tpu.dma_semaphore, #tpu.memory_space<semaphore_mem>>) src(%dma_wait3A_62 : memref<128xi32, #tpu.memory_space<hbm>>) dst(%arg8 : memref<128xi32, #tpu.memory_space<vmem>>)
        tpu.yield
      }) : () -> ()
      %dma_start3A = arith.constant 0 : i32
      %dma_start3A_55 = arith.constant 0 : i32
      %dma_start3A_56 = tpu.memref_slice %arg2[%dma_start3A, %dma_start3A_55] : memref<229376x128xf32, #tpu.memory_space<hbm>> -> memref<229376x128xf32, #tpu.memory_space<hbm>>
      tpu.enqueue_indirect_dma source(%dma_start3A_56 : memref<229376x128xf32, #tpu.memory_space<hbm>>) target(%arg9 : memref<128x128xf32, #tpu.memory_space<vmem>>) offsets(%arg7 : memref<128xi32, #tpu.memory_space<vmem>>) semaphore(%arg11 : memref<!tpu.dma_semaphore, #tpu.memory_space<semaphore_mem>>)
      %dma_wait3A = arith.constant 0 : i32
      %dma_wait3A_57 = arith.constant 0 : i32
      %dma_wait3A_58 = tpu.memref_slice %arg2[%dma_wait3A, %dma_wait3A_57] : memref<229376x128xf32, #tpu.memory_space<hbm>> -> memref<229376x128xf32, #tpu.memory_space<hbm>>
      tpu.wait_indirect_dma semaphore(%arg11 : memref<!tpu.dma_semaphore, #tpu.memory_space<semaphore_mem>>) src(%dma_wait3A_58 : memref<229376x128xf32, #tpu.memory_space<hbm>>) dst(%arg9 : memref<128x128xf32, #tpu.memory_space<vmem>>)
      "tpu.region"() ({
        %run_scoped3A = tpu.sem_alloc : memref<!tpu.dma_semaphore, #tpu.memory_space<semaphore_mem>>
        %dma_start3A_59 = arith.constant 0 : i32
        %dma_start3A_60 = arith.constant 0 : i32
        %dma_start3A_61 = tpu.memref_slice %arg10[%dma_start3A_59, %dma_start3A_60] : memref<12672x128xf32, #tpu.memory_space<vmem_shared>> -> memref<12672x128xf32, #tpu.memory_space<vmem_shared>>
        tpu.enqueue_indirect_dma source(%arg9 : memref<128x128xf32, #tpu.memory_space<vmem>>) target(%dma_start3A_61 : memref<12672x128xf32, #tpu.memory_space<vmem_shared>>) offsets(%arg8 : memref<128xi32, #tpu.memory_space<vmem>>) semaphore(%run_scoped3A : memref<!tpu.dma_semaphore, #tpu.memory_space<semaphore_mem>>) {add = true}
        %dma_wait3A_62 = arith.constant 0 : i32
        %dma_wait3A_63 = arith.constant 0 : i32
        %dma_wait3A_64 = tpu.memref_slice %arg10[%dma_wait3A_62, %dma_wait3A_63] : memref<12672x128xf32, #tpu.memory_space<vmem_shared>> -> memref<12672x128xf32, #tpu.memory_space<vmem_shared>>
        tpu.wait_indirect_dma semaphore(%run_scoped3A : memref<!tpu.dma_semaphore, #tpu.memory_space<semaphore_mem>>) src(%arg9 : memref<128x128xf32, #tpu.memory_space<vmem>>) dst(%dma_wait3A_64 : memref<12672x128xf32, #tpu.memory_space<vmem_shared>>)
        tpu.yield
      }) : () -> ()
    }
    %scan3A_32 = arith.constant 784 : i32
    %barrier3A_33 = arith.constant 0 : index
    tpu.barrier barrier_id(%barrier3A_33)
    %mul3A_34 = arith.constant 784 : i32
    %mul3A_35 = arith.muli %arg1, %mul3A_34 : i32
    %mul3A_36 = arith.constant 12544 : i32
    %mul3A_37 = arith.muli %add3A_22, %mul3A_36 : i32
    %mul3A_38 = arith.constant 784 : i32
    %mul3A_39 = arith.muli %arg1, %mul3A_38 : i32
    %add3A_40 = arith.addi %mul3A_37, %mul3A_39 : i32
    "tpu.region"() ({
      %run_scoped3A = tpu.sem_alloc : memref<!tpu.dma_semaphore, #tpu.memory_space<semaphore_mem>>
      %dma_start3A = arith.constant 0 : i32
      %dma_start3A_42 = tpu.memref_slice %arg6[%add3A_40, %dma_start3A] : memref<57344x128xf32, #tpu.memory_space<hbm>> -> memref<784x128xf32, #tpu.memory_space<hbm>>
      %dma_start3A_43 = arith.constant 0 : i32
      %dma_start3A_44 = tpu.memref_slice %arg10[%mul3A_35, %dma_start3A_43] : memref<12672x128xf32, #tpu.memory_space<vmem_shared>> -> memref<784x128xf32, #tpu.memory_space<vmem_shared>>
      tpu.enqueue_dma source(%dma_start3A_44 : memref<784x128xf32, #tpu.memory_space<vmem_shared>>) target(%dma_start3A_42 : memref<784x128xf32, #tpu.memory_space<hbm>>) target_semaphore(%run_scoped3A : memref<!tpu.dma_semaphore, #tpu.memory_space<semaphore_mem>>)
      %dma_wait3A = arith.constant 0 : i32
      %dma_wait3A_45 = tpu.memref_slice %arg6[%add3A_40, %dma_wait3A] : memref<57344x128xf32, #tpu.memory_space<hbm>> -> memref<784x128xf32, #tpu.memory_space<hbm>>
      %dma_wait3A_46 = arith.constant 0 : i32
      %dma_wait3A_47 = tpu.memref_slice %arg10[%mul3A_35, %dma_wait3A_46] : memref<12672x128xf32, #tpu.memory_space<vmem_shared>> -> memref<784x128xf32, #tpu.memory_space<vmem_shared>>
      tpu.wait_dma2 semaphore(%run_scoped3A : memref<!tpu.dma_semaphore, #tpu.memory_space<semaphore_mem>>) src(%dma_wait3A_47 : memref<784x128xf32, #tpu.memory_space<vmem_shared>>) dst(%dma_wait3A_45 : memref<784x128xf32, #tpu.memory_space<hbm>>)
      tpu.yield
    }) : () -> ()
    %barrier3A_41 = arith.constant 0 : index
    tpu.barrier barrier_id(%barrier3A_41)
    return
  }
}

#map = affine_map<(d0, d1) -> (0, 0)>
#map1 = affine_map<(d0, d1) -> (0)>
#map2 = affine_map<(d0, d1) -> (0, 0, 0)>
module attributes {stable_mosaic.version = 14 : i64} {
  func.func @_sc_deg(%arg0: i32, %arg1: i32, %arg2: memref<128x128xf32, #tpu.memory_space<hbm>>, %arg3: memref<1605632xi32, #tpu.memory_space<hbm>>, %arg4: memref<1605632xi32, #tpu.memory_space<hbm>>, %arg5: memref<896x128xf32, #tpu.memory_space<hbm>>, %arg6: memref<2x896x128xf32, #tpu.memory_space<hbm>>, %arg7: memref<128xi32, #tpu.memory_space<vmem>>, %arg8: memref<128xi32, #tpu.memory_space<vmem>>, %arg9: memref<128x128xf32, #tpu.memory_space<vmem>>, %arg10: memref<896x128xf32, #tpu.memory_space<vmem_shared>>, %arg11: memref<!tpu.dma_semaphore, #tpu.memory_space<semaphore_mem>>) attributes {dimension_semantics = [#tpu.dimension_semantics<core_parallel>, #tpu.dimension_semantics<subcore_parallel>], iteration_bounds = array<i64: 2, 16>, scalar_prefetch = 0 : i64, scratch_operands = 5 : i64, tpu.core_type = #tpu.core_type<sc_vector_subcore>, window_params = [{transform_indices = #map}, {transform_indices = #map1}, {transform_indices = #map1}, {transform_indices = #map}, {transform_indices = #map2}]} {
    %mul3A = arith.constant 56 : i32
    %mul3A_0 = arith.muli %arg1, %mul3A : i32
    %mul3A_1 = arith.constant 56 : i32
    %mul3A_2 = arith.muli %arg1, %mul3A_1 : i32
    "tpu.region"() ({
      %run_scoped3A = tpu.sem_alloc : memref<!tpu.dma_semaphore, #tpu.memory_space<semaphore_mem>>
      %dma_start3A = arith.constant 0 : i32
      %dma_start3A_12 = tpu.memref_slice %arg10[%mul3A_2, %dma_start3A] : memref<896x128xf32, #tpu.memory_space<vmem_shared>> -> memref<56x128xf32, #tpu.memory_space<vmem_shared>>
      %dma_start3A_13 = arith.constant 0 : i32
      %dma_start3A_14 = tpu.memref_slice %arg5[%mul3A_0, %dma_start3A_13] : memref<896x128xf32, #tpu.memory_space<hbm>> -> memref<56x128xf32, #tpu.memory_space<hbm>>
      tpu.enqueue_dma source(%dma_start3A_14 : memref<56x128xf32, #tpu.memory_space<hbm>>) target(%dma_start3A_12 : memref<56x128xf32, #tpu.memory_space<vmem_shared>>) target_semaphore(%run_scoped3A : memref<!tpu.dma_semaphore, #tpu.memory_space<semaphore_mem>>)
      %dma_wait3A = arith.constant 0 : i32
      %dma_wait3A_15 = tpu.memref_slice %arg10[%mul3A_2, %dma_wait3A] : memref<896x128xf32, #tpu.memory_space<vmem_shared>> -> memref<56x128xf32, #tpu.memory_space<vmem_shared>>
      %dma_wait3A_16 = arith.constant 0 : i32
      %dma_wait3A_17 = tpu.memref_slice %arg5[%mul3A_0, %dma_wait3A_16] : memref<896x128xf32, #tpu.memory_space<hbm>> -> memref<56x128xf32, #tpu.memory_space<hbm>>
      tpu.wait_dma2 semaphore(%run_scoped3A : memref<!tpu.dma_semaphore, #tpu.memory_space<semaphore_mem>>) src(%dma_wait3A_17 : memref<56x128xf32, #tpu.memory_space<hbm>>) dst(%dma_wait3A_15 : memref<56x128xf32, #tpu.memory_space<vmem_shared>>)
      tpu.yield
    }) : () -> ()
    %barrier3A = arith.constant 0 : index
    tpu.barrier barrier_id(%barrier3A)
    %scan3A = arith.constant 0 : i32
    %scan3A_3 = arith.constant 392 : i32
    %scan3A_4 = arith.addi %scan3A, %scan3A_3 : i32
    %scan3A_5 = arith.constant 1 : i32
    scf.for %scan3A_12 = %scan3A to %scan3A_4 step %scan3A_5  : i32 {
      %mul3A_13 = arith.constant 1 : i32
      %mul3A_14 = arith.muli %scan3A_12, %mul3A_13 : i32
      %add3A = arith.constant 0 : i32
      %add3A_15 = arith.addi %add3A, %mul3A_14 : i32
      %mul3A_16 = arith.constant 6272 : i32
      %mul3A_17 = arith.muli %arg0, %mul3A_16 : i32
      %mul3A_18 = arith.constant 392 : i32
      %mul3A_19 = arith.muli %arg1, %mul3A_18 : i32
      %add3A_20 = arith.addi %mul3A_17, %mul3A_19 : i32
      %add3A_21 = arith.addi %add3A_20, %add3A_15 : i32
      %mul3A_22 = arith.constant 128 : i32
      %mul3A_23 = arith.muli %add3A_21, %mul3A_22 : i32
      "tpu.region"() ({
        %run_scoped3A = tpu.sem_alloc : memref<!tpu.dma_semaphore, #tpu.memory_space<semaphore_mem>>
        %dma_start3A_28 = tpu.memref_slice %arg3[%mul3A_23] : memref<1605632xi32, #tpu.memory_space<hbm>> -> memref<128xi32, #tpu.memory_space<hbm>>
        %dma_start3A_29 = tpu.memref_slice %arg3[%mul3A_23] : memref<1605632xi32, #tpu.memory_space<hbm>> -> memref<128xi32, #tpu.memory_space<hbm>>
        tpu.enqueue_dma source(%dma_start3A_29 : memref<128xi32, #tpu.memory_space<hbm>>) target(%arg7 : memref<128xi32, #tpu.memory_space<vmem>>) target_semaphore(%run_scoped3A : memref<!tpu.dma_semaphore, #tpu.memory_space<semaphore_mem>>)
        %dma_wait3A_30 = tpu.memref_slice %arg3[%mul3A_23] : memref<1605632xi32, #tpu.memory_space<hbm>> -> memref<128xi32, #tpu.memory_space<hbm>>
        %dma_wait3A_31 = tpu.memref_slice %arg3[%mul3A_23] : memref<1605632xi32, #tpu.memory_space<hbm>> -> memref<128xi32, #tpu.memory_space<hbm>>
        tpu.wait_dma2 semaphore(%run_scoped3A : memref<!tpu.dma_semaphore, #tpu.memory_space<semaphore_mem>>) src(%dma_wait3A_31 : memref<128xi32, #tpu.memory_space<hbm>>) dst(%arg7 : memref<128xi32, #tpu.memory_space<vmem>>)
        tpu.yield
      }) : () -> ()
      "tpu.region"() ({
        %run_scoped3A = tpu.sem_alloc : memref<!tpu.dma_semaphore, #tpu.memory_space<semaphore_mem>>
        %dma_start3A_28 = tpu.memref_slice %arg4[%mul3A_23] : memref<1605632xi32, #tpu.memory_space<hbm>> -> memref<128xi32, #tpu.memory_space<hbm>>
        %dma_start3A_29 = tpu.memref_slice %arg4[%mul3A_23] : memref<1605632xi32, #tpu.memory_space<hbm>> -> memref<128xi32, #tpu.memory_space<hbm>>
        tpu.enqueue_dma source(%dma_start3A_29 : memref<128xi32, #tpu.memory_space<hbm>>) target(%arg8 : memref<128xi32, #tpu.memory_space<vmem>>) target_semaphore(%run_scoped3A : memref<!tpu.dma_semaphore, #tpu.memory_space<semaphore_mem>>)
        %dma_wait3A_30 = tpu.memref_slice %arg4[%mul3A_23] : memref<1605632xi32, #tpu.memory_space<hbm>> -> memref<128xi32, #tpu.memory_space<hbm>>
        %dma_wait3A_31 = tpu.memref_slice %arg4[%mul3A_23] : memref<1605632xi32, #tpu.memory_space<hbm>> -> memref<128xi32, #tpu.memory_space<hbm>>
        tpu.wait_dma2 semaphore(%run_scoped3A : memref<!tpu.dma_semaphore, #tpu.memory_space<semaphore_mem>>) src(%dma_wait3A_31 : memref<128xi32, #tpu.memory_space<hbm>>) dst(%arg8 : memref<128xi32, #tpu.memory_space<vmem>>)
        tpu.yield
      }) : () -> ()
      %dma_start3A = arith.constant 0 : i32
      %dma_start3A_24 = arith.constant 0 : i32
      %dma_start3A_25 = tpu.memref_slice %arg2[%dma_start3A, %dma_start3A_24] : memref<128x128xf32, #tpu.memory_space<hbm>> -> memref<128x128xf32, #tpu.memory_space<hbm>>
      tpu.enqueue_indirect_dma source(%dma_start3A_25 : memref<128x128xf32, #tpu.memory_space<hbm>>) target(%arg9 : memref<128x128xf32, #tpu.memory_space<vmem>>) offsets(%arg7 : memref<128xi32, #tpu.memory_space<vmem>>) semaphore(%arg11 : memref<!tpu.dma_semaphore, #tpu.memory_space<semaphore_mem>>)
      %dma_wait3A = arith.constant 0 : i32
      %dma_wait3A_26 = arith.constant 0 : i32
      %dma_wait3A_27 = tpu.memref_slice %arg2[%dma_wait3A, %dma_wait3A_26] : memref<128x128xf32, #tpu.memory_space<hbm>> -> memref<128x128xf32, #tpu.memory_space<hbm>>
      tpu.wait_indirect_dma semaphore(%arg11 : memref<!tpu.dma_semaphore, #tpu.memory_space<semaphore_mem>>) src(%dma_wait3A_27 : memref<128x128xf32, #tpu.memory_space<hbm>>) dst(%arg9 : memref<128x128xf32, #tpu.memory_space<vmem>>)
      "tpu.region"() ({
        %run_scoped3A = tpu.sem_alloc : memref<!tpu.dma_semaphore, #tpu.memory_space<semaphore_mem>>
        %dma_start3A_28 = arith.constant 0 : i32
        %dma_start3A_29 = arith.constant 0 : i32
        %dma_start3A_30 = tpu.memref_slice %arg10[%dma_start3A_28, %dma_start3A_29] : memref<896x128xf32, #tpu.memory_space<vmem_shared>> -> memref<896x128xf32, #tpu.memory_space<vmem_shared>>
        tpu.enqueue_indirect_dma source(%arg9 : memref<128x128xf32, #tpu.memory_space<vmem>>) target(%dma_start3A_30 : memref<896x128xf32, #tpu.memory_space<vmem_shared>>) offsets(%arg8 : memref<128xi32, #tpu.memory_space<vmem>>) semaphore(%run_scoped3A : memref<!tpu.dma_semaphore, #tpu.memory_space<semaphore_mem>>) {add = true}
        %dma_wait3A_31 = arith.constant 0 : i32
        %dma_wait3A_32 = arith.constant 0 : i32
        %dma_wait3A_33 = tpu.memref_slice %arg10[%dma_wait3A_31, %dma_wait3A_32] : memref<896x128xf32, #tpu.memory_space<vmem_shared>> -> memref<896x128xf32, #tpu.memory_space<vmem_shared>>
        tpu.wait_indirect_dma semaphore(%run_scoped3A : memref<!tpu.dma_semaphore, #tpu.memory_space<semaphore_mem>>) src(%arg9 : memref<128x128xf32, #tpu.memory_space<vmem>>) dst(%dma_wait3A_33 : memref<896x128xf32, #tpu.memory_space<vmem_shared>>)
        tpu.yield
      }) : () -> ()
    }
    %scan3A_6 = arith.constant 392 : i32
    %barrier3A_7 = arith.constant 0 : index
    tpu.barrier barrier_id(%barrier3A_7)
    %mul3A_8 = arith.constant 56 : i32
    %mul3A_9 = arith.muli %arg1, %mul3A_8 : i32
    %mul3A_10 = arith.constant 56 : i32
    %mul3A_11 = arith.muli %arg1, %mul3A_10 : i32
    "tpu.region"() ({
      %run_scoped3A = tpu.sem_alloc : memref<!tpu.dma_semaphore, #tpu.memory_space<semaphore_mem>>
      %dma_start3A = arith.constant 0 : i32
      %dma_start3A_12 = tpu.memref_slice %arg6[%arg0, %mul3A_11, %dma_start3A] : memref<2x896x128xf32, #tpu.memory_space<hbm>> -> memref<1x56x128xf32, #tpu.memory_space<hbm>>
      %dma_start3A_13 = tpu.memref_squeeze %dma_start3A_12 : memref<1x56x128xf32, #tpu.memory_space<hbm>> -> memref<56x128xf32, #tpu.memory_space<hbm>>
      %dma_start3A_14 = arith.constant 0 : i32
      %dma_start3A_15 = tpu.memref_slice %arg10[%mul3A_9, %dma_start3A_14] : memref<896x128xf32, #tpu.memory_space<vmem_shared>> -> memref<56x128xf32, #tpu.memory_space<vmem_shared>>
      tpu.enqueue_dma source(%dma_start3A_15 : memref<56x128xf32, #tpu.memory_space<vmem_shared>>) target(%dma_start3A_13 : memref<56x128xf32, #tpu.memory_space<hbm>>) target_semaphore(%run_scoped3A : memref<!tpu.dma_semaphore, #tpu.memory_space<semaphore_mem>>)
      %dma_wait3A = arith.constant 0 : i32
      %dma_wait3A_16 = tpu.memref_slice %arg6[%arg0, %mul3A_11, %dma_wait3A] : memref<2x896x128xf32, #tpu.memory_space<hbm>> -> memref<1x56x128xf32, #tpu.memory_space<hbm>>
      %dma_wait3A_17 = tpu.memref_squeeze %dma_wait3A_16 : memref<1x56x128xf32, #tpu.memory_space<hbm>> -> memref<56x128xf32, #tpu.memory_space<hbm>>
      %dma_wait3A_18 = arith.constant 0 : i32
      %dma_wait3A_19 = tpu.memref_slice %arg10[%mul3A_9, %dma_wait3A_18] : memref<896x128xf32, #tpu.memory_space<vmem_shared>> -> memref<56x128xf32, #tpu.memory_space<vmem_shared>>
      tpu.wait_dma2 semaphore(%run_scoped3A : memref<!tpu.dma_semaphore, #tpu.memory_space<semaphore_mem>>) src(%dma_wait3A_19 : memref<56x128xf32, #tpu.memory_space<vmem_shared>>) dst(%dma_wait3A_17 : memref<56x128xf32, #tpu.memory_space<hbm>>)
      tpu.yield
    }) : () -> ()
    return
  }
}

#map = affine_map<(d0, d1) -> (0, 0)>
#map1 = affine_map<(d0, d1) -> (0)>
module attributes {stable_mosaic.version = 14 : i64} {
  func.func @_sc_embed(%arg0: i32, %arg1: i32, %arg2: memref<4096x128xf32, #tpu.memory_space<hbm>>, %arg3: memref<458752xi32, #tpu.memory_space<hbm>>, %arg4: memref<458752x128xf32, #tpu.memory_space<hbm>>, %arg5: memref<128xi32, #tpu.memory_space<vmem>>, %arg6: memref<128x128xf32, #tpu.memory_space<vmem>>, %arg7: memref<!tpu.dma_semaphore, #tpu.memory_space<semaphore_mem>>) attributes {dimension_semantics = [#tpu.dimension_semantics<core_parallel>, #tpu.dimension_semantics<subcore_parallel>], iteration_bounds = array<i64: 2, 16>, scalar_prefetch = 0 : i64, scratch_operands = 3 : i64, tpu.core_type = #tpu.core_type<sc_vector_subcore>, window_params = [{transform_indices = #map}, {transform_indices = #map1}, {transform_indices = #map}]} {
    %mul3A = arith.constant 2 : i32
    %mul3A_0 = arith.muli %arg1, %mul3A : i32
    %add3A = arith.addi %mul3A_0, %arg0 : i32
    %scan3A = arith.constant 0 : i32
    %scan3A_1 = arith.constant 112 : i32
    %scan3A_2 = arith.addi %scan3A, %scan3A_1 : i32
    %scan3A_3 = arith.constant 1 : i32
    scf.for %scan3A_5 = %scan3A to %scan3A_2 step %scan3A_3  : i32 {
      %mul3A_6 = arith.constant 1 : i32
      %mul3A_7 = arith.muli %scan3A_5, %mul3A_6 : i32
      %add3A_8 = arith.constant 0 : i32
      %add3A_9 = arith.addi %add3A_8, %mul3A_7 : i32
      %mul3A_10 = arith.constant 14336 : i32
      %mul3A_11 = arith.muli %add3A, %mul3A_10 : i32
      %mul3A_12 = arith.constant 128 : i32
      %mul3A_13 = arith.muli %add3A_9, %mul3A_12 : i32
      %add3A_14 = arith.addi %mul3A_11, %mul3A_13 : i32
      "tpu.region"() ({
        %run_scoped3A = tpu.sem_alloc : memref<!tpu.dma_semaphore, #tpu.memory_space<semaphore_mem>>
        %dma_start3A_19 = tpu.memref_slice %arg3[%add3A_14] : memref<458752xi32, #tpu.memory_space<hbm>> -> memref<128xi32, #tpu.memory_space<hbm>>
        %dma_start3A_20 = tpu.memref_slice %arg3[%add3A_14] : memref<458752xi32, #tpu.memory_space<hbm>> -> memref<128xi32, #tpu.memory_space<hbm>>
        tpu.enqueue_dma source(%dma_start3A_20 : memref<128xi32, #tpu.memory_space<hbm>>) target(%arg5 : memref<128xi32, #tpu.memory_space<vmem>>) target_semaphore(%run_scoped3A : memref<!tpu.dma_semaphore, #tpu.memory_space<semaphore_mem>>)
        %dma_wait3A_21 = tpu.memref_slice %arg3[%add3A_14] : memref<458752xi32, #tpu.memory_space<hbm>> -> memref<128xi32, #tpu.memory_space<hbm>>
        %dma_wait3A_22 = tpu.memref_slice %arg3[%add3A_14] : memref<458752xi32, #tpu.memory_space<hbm>> -> memref<128xi32, #tpu.memory_space<hbm>>
        tpu.wait_dma2 semaphore(%run_scoped3A : memref<!tpu.dma_semaphore, #tpu.memory_space<semaphore_mem>>) src(%dma_wait3A_22 : memref<128xi32, #tpu.memory_space<hbm>>) dst(%arg5 : memref<128xi32, #tpu.memory_space<vmem>>)
        tpu.yield
      }) : () -> ()
      %dma_start3A = arith.constant 0 : i32
      %dma_start3A_15 = arith.constant 0 : i32
      %dma_start3A_16 = tpu.memref_slice %arg2[%dma_start3A, %dma_start3A_15] : memref<4096x128xf32, #tpu.memory_space<hbm>> -> memref<4096x128xf32, #tpu.memory_space<hbm>>
      tpu.enqueue_indirect_dma source(%dma_start3A_16 : memref<4096x128xf32, #tpu.memory_space<hbm>>) target(%arg6 : memref<128x128xf32, #tpu.memory_space<vmem>>) offsets(%arg5 : memref<128xi32, #tpu.memory_space<vmem>>) semaphore(%arg7 : memref<!tpu.dma_semaphore, #tpu.memory_space<semaphore_mem>>)
      %dma_wait3A = arith.constant 0 : i32
      %dma_wait3A_17 = arith.constant 0 : i32
      %dma_wait3A_18 = tpu.memref_slice %arg2[%dma_wait3A, %dma_wait3A_17] : memref<4096x128xf32, #tpu.memory_space<hbm>> -> memref<4096x128xf32, #tpu.memory_space<hbm>>
      tpu.wait_indirect_dma semaphore(%arg7 : memref<!tpu.dma_semaphore, #tpu.memory_space<semaphore_mem>>) src(%dma_wait3A_18 : memref<4096x128xf32, #tpu.memory_space<hbm>>) dst(%arg6 : memref<128x128xf32, #tpu.memory_space<vmem>>)
      "tpu.region"() ({
        %run_scoped3A = tpu.sem_alloc : memref<!tpu.dma_semaphore, #tpu.memory_space<semaphore_mem>>
        %dma_start3A_19 = arith.constant 0 : i32
        %dma_start3A_20 = tpu.memref_slice %arg4[%add3A_14, %dma_start3A_19] : memref<458752x128xf32, #tpu.memory_space<hbm>> -> memref<128x128xf32, #tpu.memory_space<hbm>>
        %dma_start3A_21 = arith.constant 0 : i32
        %dma_start3A_22 = tpu.memref_slice %arg4[%add3A_14, %dma_start3A_21] : memref<458752x128xf32, #tpu.memory_space<hbm>> -> memref<128x128xf32, #tpu.memory_space<hbm>>
        tpu.enqueue_dma source(%arg6 : memref<128x128xf32, #tpu.memory_space<vmem>>) target(%dma_start3A_22 : memref<128x128xf32, #tpu.memory_space<hbm>>) target_semaphore(%run_scoped3A : memref<!tpu.dma_semaphore, #tpu.memory_space<semaphore_mem>>)
        %dma_wait3A_23 = arith.constant 0 : i32
        %dma_wait3A_24 = tpu.memref_slice %arg4[%add3A_14, %dma_wait3A_23] : memref<458752x128xf32, #tpu.memory_space<hbm>> -> memref<128x128xf32, #tpu.memory_space<hbm>>
        %dma_wait3A_25 = arith.constant 0 : i32
        %dma_wait3A_26 = tpu.memref_slice %arg4[%add3A_14, %dma_wait3A_25] : memref<458752x128xf32, #tpu.memory_space<hbm>> -> memref<128x128xf32, #tpu.memory_space<hbm>>
        tpu.wait_dma2 semaphore(%run_scoped3A : memref<!tpu.dma_semaphore, #tpu.memory_space<semaphore_mem>>) src(%arg6 : memref<128x128xf32, #tpu.memory_space<vmem>>) dst(%dma_wait3A_26 : memref<128x128xf32, #tpu.memory_space<hbm>>)
        tpu.yield
      }) : () -> ()
    }
    %scan3A_4 = arith.constant 112 : i32
    return
  }
}

#map = affine_map<(d0, d1) -> (0, 0)>
#map1 = affine_map<(d0, d1) -> (0)>
#map2 = affine_map<(d0, d1) -> (0, 0, 0)>
module attributes {stable_mosaic.version = 14 : i64} {
  func.func @_sc_pool(%arg0: i32, %arg1: i32, %arg2: memref<114688x128xf32, #tpu.memory_space<hbm>>, %arg3: memref<114688xi32, #tpu.memory_space<hbm>>, %arg4: memref<1152x128xf32, #tpu.memory_space<hbm>>, %arg5: memref<2x1024x128xf32, #tpu.memory_space<hbm>>, %arg6: memref<128xi32, #tpu.memory_space<vmem>>, %arg7: memref<128x128xf32, #tpu.memory_space<vmem>>, %arg8: memref<1152x128xf32, #tpu.memory_space<vmem_shared>>) attributes {dimension_semantics = [#tpu.dimension_semantics<core_parallel>, #tpu.dimension_semantics<subcore_parallel>], iteration_bounds = array<i64: 2, 16>, scalar_prefetch = 0 : i64, scratch_operands = 3 : i64, tpu.core_type = #tpu.core_type<sc_vector_subcore>, window_params = [{transform_indices = #map}, {transform_indices = #map1}, {transform_indices = #map}, {transform_indices = #map2}]} {
    %mul3A = arith.constant 72 : i32
    %mul3A_0 = arith.muli %arg1, %mul3A : i32
    %mul3A_1 = arith.constant 72 : i32
    %mul3A_2 = arith.muli %arg1, %mul3A_1 : i32
    "tpu.region"() ({
      %run_scoped3A = tpu.sem_alloc : memref<!tpu.dma_semaphore, #tpu.memory_space<semaphore_mem>>
      %dma_start3A = arith.constant 0 : i32
      %dma_start3A_12 = tpu.memref_slice %arg8[%mul3A_2, %dma_start3A] : memref<1152x128xf32, #tpu.memory_space<vmem_shared>> -> memref<72x128xf32, #tpu.memory_space<vmem_shared>>
      %dma_start3A_13 = arith.constant 0 : i32
      %dma_start3A_14 = tpu.memref_slice %arg4[%mul3A_0, %dma_start3A_13] : memref<1152x128xf32, #tpu.memory_space<hbm>> -> memref<72x128xf32, #tpu.memory_space<hbm>>
      tpu.enqueue_dma source(%dma_start3A_14 : memref<72x128xf32, #tpu.memory_space<hbm>>) target(%dma_start3A_12 : memref<72x128xf32, #tpu.memory_space<vmem_shared>>) target_semaphore(%run_scoped3A : memref<!tpu.dma_semaphore, #tpu.memory_space<semaphore_mem>>)
      %dma_wait3A = arith.constant 0 : i32
      %dma_wait3A_15 = tpu.memref_slice %arg8[%mul3A_2, %dma_wait3A] : memref<1152x128xf32, #tpu.memory_space<vmem_shared>> -> memref<72x128xf32, #tpu.memory_space<vmem_shared>>
      %dma_wait3A_16 = arith.constant 0 : i32
      %dma_wait3A_17 = tpu.memref_slice %arg4[%mul3A_0, %dma_wait3A_16] : memref<1152x128xf32, #tpu.memory_space<hbm>> -> memref<72x128xf32, #tpu.memory_space<hbm>>
      tpu.wait_dma2 semaphore(%run_scoped3A : memref<!tpu.dma_semaphore, #tpu.memory_space<semaphore_mem>>) src(%dma_wait3A_17 : memref<72x128xf32, #tpu.memory_space<hbm>>) dst(%dma_wait3A_15 : memref<72x128xf32, #tpu.memory_space<vmem_shared>>)
      tpu.yield
    }) : () -> ()
    %barrier3A = arith.constant 0 : index
    tpu.barrier barrier_id(%barrier3A)
    %scan3A = arith.constant 0 : i32
    %scan3A_3 = arith.constant 28 : i32
    %scan3A_4 = arith.addi %scan3A, %scan3A_3 : i32
    %scan3A_5 = arith.constant 1 : i32
    scf.for %scan3A_12 = %scan3A to %scan3A_4 step %scan3A_5  : i32 {
      %mul3A_13 = arith.constant 1 : i32
      %mul3A_14 = arith.muli %scan3A_12, %mul3A_13 : i32
      %add3A = arith.constant 0 : i32
      %add3A_15 = arith.addi %add3A, %mul3A_14 : i32
      %mul3A_16 = arith.constant 448 : i32
      %mul3A_17 = arith.muli %arg0, %mul3A_16 : i32
      %mul3A_18 = arith.constant 28 : i32
      %mul3A_19 = arith.muli %arg1, %mul3A_18 : i32
      %add3A_20 = arith.addi %mul3A_17, %mul3A_19 : i32
      %add3A_21 = arith.addi %add3A_20, %add3A_15 : i32
      %mul3A_22 = arith.constant 128 : i32
      %mul3A_23 = arith.muli %add3A_21, %mul3A_22 : i32
      "tpu.region"() ({
        %run_scoped3A = tpu.sem_alloc : memref<!tpu.dma_semaphore, #tpu.memory_space<semaphore_mem>>
        %dma_start3A = tpu.memref_slice %arg3[%mul3A_23] : memref<114688xi32, #tpu.memory_space<hbm>> -> memref<128xi32, #tpu.memory_space<hbm>>
        %dma_start3A_24 = tpu.memref_slice %arg3[%mul3A_23] : memref<114688xi32, #tpu.memory_space<hbm>> -> memref<128xi32, #tpu.memory_space<hbm>>
        tpu.enqueue_dma source(%dma_start3A_24 : memref<128xi32, #tpu.memory_space<hbm>>) target(%arg6 : memref<128xi32, #tpu.memory_space<vmem>>) target_semaphore(%run_scoped3A : memref<!tpu.dma_semaphore, #tpu.memory_space<semaphore_mem>>)
        %dma_wait3A = tpu.memref_slice %arg3[%mul3A_23] : memref<114688xi32, #tpu.memory_space<hbm>> -> memref<128xi32, #tpu.memory_space<hbm>>
        %dma_wait3A_25 = tpu.memref_slice %arg3[%mul3A_23] : memref<114688xi32, #tpu.memory_space<hbm>> -> memref<128xi32, #tpu.memory_space<hbm>>
        tpu.wait_dma2 semaphore(%run_scoped3A : memref<!tpu.dma_semaphore, #tpu.memory_space<semaphore_mem>>) src(%dma_wait3A_25 : memref<128xi32, #tpu.memory_space<hbm>>) dst(%arg6 : memref<128xi32, #tpu.memory_space<vmem>>)
        tpu.yield
      }) : () -> ()
      "tpu.region"() ({
        %run_scoped3A = tpu.sem_alloc : memref<!tpu.dma_semaphore, #tpu.memory_space<semaphore_mem>>
        %dma_start3A = arith.constant 0 : i32
        %dma_start3A_24 = tpu.memref_slice %arg2[%mul3A_23, %dma_start3A] : memref<114688x128xf32, #tpu.memory_space<hbm>> -> memref<128x128xf32, #tpu.memory_space<hbm>>
        %dma_start3A_25 = arith.constant 0 : i32
        %dma_start3A_26 = tpu.memref_slice %arg2[%mul3A_23, %dma_start3A_25] : memref<114688x128xf32, #tpu.memory_space<hbm>> -> memref<128x128xf32, #tpu.memory_space<hbm>>
        tpu.enqueue_dma source(%dma_start3A_26 : memref<128x128xf32, #tpu.memory_space<hbm>>) target(%arg7 : memref<128x128xf32, #tpu.memory_space<vmem>>) target_semaphore(%run_scoped3A : memref<!tpu.dma_semaphore, #tpu.memory_space<semaphore_mem>>)
        %dma_wait3A = arith.constant 0 : i32
        %dma_wait3A_27 = tpu.memref_slice %arg2[%mul3A_23, %dma_wait3A] : memref<114688x128xf32, #tpu.memory_space<hbm>> -> memref<128x128xf32, #tpu.memory_space<hbm>>
        %dma_wait3A_28 = arith.constant 0 : i32
        %dma_wait3A_29 = tpu.memref_slice %arg2[%mul3A_23, %dma_wait3A_28] : memref<114688x128xf32, #tpu.memory_space<hbm>> -> memref<128x128xf32, #tpu.memory_space<hbm>>
        tpu.wait_dma2 semaphore(%run_scoped3A : memref<!tpu.dma_semaphore, #tpu.memory_space<semaphore_mem>>) src(%dma_wait3A_29 : memref<128x128xf32, #tpu.memory_space<hbm>>) dst(%arg7 : memref<128x128xf32, #tpu.memory_space<vmem>>)
        tpu.yield
      }) : () -> ()
      "tpu.region"() ({
        %run_scoped3A = tpu.sem_alloc : memref<!tpu.dma_semaphore, #tpu.memory_space<semaphore_mem>>
        %dma_start3A = arith.constant 0 : i32
        %dma_start3A_24 = arith.constant 0 : i32
        %dma_start3A_25 = tpu.memref_slice %arg8[%dma_start3A, %dma_start3A_24] : memref<1152x128xf32, #tpu.memory_space<vmem_shared>> -> memref<1152x128xf32, #tpu.memory_space<vmem_shared>>
        tpu.enqueue_indirect_dma source(%arg7 : memref<128x128xf32, #tpu.memory_space<vmem>>) target(%dma_start3A_25 : memref<1152x128xf32, #tpu.memory_space<vmem_shared>>) offsets(%arg6 : memref<128xi32, #tpu.memory_space<vmem>>) semaphore(%run_scoped3A : memref<!tpu.dma_semaphore, #tpu.memory_space<semaphore_mem>>) {add = true}
        %dma_wait3A = arith.constant 0 : i32
        %dma_wait3A_26 = arith.constant 0 : i32
        %dma_wait3A_27 = tpu.memref_slice %arg8[%dma_wait3A, %dma_wait3A_26] : memref<1152x128xf32, #tpu.memory_space<vmem_shared>> -> memref<1152x128xf32, #tpu.memory_space<vmem_shared>>
        tpu.wait_indirect_dma semaphore(%run_scoped3A : memref<!tpu.dma_semaphore, #tpu.memory_space<semaphore_mem>>) src(%arg7 : memref<128x128xf32, #tpu.memory_space<vmem>>) dst(%dma_wait3A_27 : memref<1152x128xf32, #tpu.memory_space<vmem_shared>>)
        tpu.yield
      }) : () -> ()
    }
    %scan3A_6 = arith.constant 28 : i32
    %barrier3A_7 = arith.constant 0 : index
    tpu.barrier barrier_id(%barrier3A_7)
    %mul3A_8 = arith.constant 64 : i32
    %mul3A_9 = arith.muli %arg1, %mul3A_8 : i32
    %mul3A_10 = arith.constant 64 : i32
    %mul3A_11 = arith.muli %arg1, %mul3A_10 : i32
    "tpu.region"() ({
      %run_scoped3A = tpu.sem_alloc : memref<!tpu.dma_semaphore, #tpu.memory_space<semaphore_mem>>
      %dma_start3A = arith.constant 0 : i32
      %dma_start3A_12 = tpu.memref_slice %arg5[%arg0, %mul3A_11, %dma_start3A] : memref<2x1024x128xf32, #tpu.memory_space<hbm>> -> memref<1x64x128xf32, #tpu.memory_space<hbm>>
      %dma_start3A_13 = tpu.memref_squeeze %dma_start3A_12 : memref<1x64x128xf32, #tpu.memory_space<hbm>> -> memref<64x128xf32, #tpu.memory_space<hbm>>
      %dma_start3A_14 = arith.constant 0 : i32
      %dma_start3A_15 = tpu.memref_slice %arg8[%mul3A_9, %dma_start3A_14] : memref<1152x128xf32, #tpu.memory_space<vmem_shared>> -> memref<64x128xf32, #tpu.memory_space<vmem_shared>>
      tpu.enqueue_dma source(%dma_start3A_15 : memref<64x128xf32, #tpu.memory_space<vmem_shared>>) target(%dma_start3A_13 : memref<64x128xf32, #tpu.memory_space<hbm>>) target_semaphore(%run_scoped3A : memref<!tpu.dma_semaphore, #tpu.memory_space<semaphore_mem>>)
      %dma_wait3A = arith.constant 0 : i32
      %dma_wait3A_16 = tpu.memref_slice %arg5[%arg0, %mul3A_11, %dma_wait3A] : memref<2x1024x128xf32, #tpu.memory_space<hbm>> -> memref<1x64x128xf32, #tpu.memory_space<hbm>>
      %dma_wait3A_17 = tpu.memref_squeeze %dma_wait3A_16 : memref<1x64x128xf32, #tpu.memory_space<hbm>> -> memref<64x128xf32, #tpu.memory_space<hbm>>
      %dma_wait3A_18 = arith.constant 0 : i32
      %dma_wait3A_19 = tpu.memref_slice %arg8[%mul3A_9, %dma_wait3A_18] : memref<1152x128xf32, #tpu.memory_space<vmem_shared>> -> memref<64x128xf32, #tpu.memory_space<vmem_shared>>
      tpu.wait_dma2 semaphore(%run_scoped3A : memref<!tpu.dma_semaphore, #tpu.memory_space<semaphore_mem>>) src(%dma_wait3A_19 : memref<64x128xf32, #tpu.memory_space<vmem_shared>>) dst(%dma_wait3A_17 : memref<64x128xf32, #tpu.memory_space<hbm>>)
      tpu.yield
    }) : () -> ()
    return
  }
}

module attributes {stable_mosaic.version = 14 : i64} {
  func.func @body(%arg0: i32, %arg1: memref<2048x128xf32, #tpu.memory_space<vmem>>, %arg2: memref<2048x32xf32, #tpu.memory_space<vmem>>, %arg3: memref<2x2048x16xf32, #tpu.memory_space<vmem>>, %arg4: memref<32x128xf32, #tpu.memory_space<vmem>>, %arg5: memref<1x128xf32, #tpu.memory_space<vmem>>, %arg6: memref<128x128xf32, #tpu.memory_space<vmem>>, %arg7: memref<1x128xf32, #tpu.memory_space<vmem>>, %arg8: memref<2x2048x128xf32, #tpu.memory_space<vmem>>) attributes {dimension_semantics = [#tpu.dimension_semantics<arbitrary>], iteration_bounds = array<i64: 56>, scalar_prefetch = 0 : i64, scratch_operands = 0 : i64, tpu.core_type = #tpu.core_type<tc>, window_params = [{transform_indices = @transform_0, window_bounds = array<i64: 2048, 128>}, {transform_indices = @transform_1, window_bounds = array<i64: 2048, 32>}, {transform_indices = @transform_2, window_bounds = array<i64: 2, 2048, 16>}, {pipeline_mode = #tpu.pipeline_mode<synchronous>, transform_indices = @transform_3, window_bounds = array<i64: 32, 128>}, {pipeline_mode = #tpu.pipeline_mode<synchronous>, transform_indices = @transform_4, window_bounds = array<i64: 1, 128>}, {pipeline_mode = #tpu.pipeline_mode<synchronous>, transform_indices = @transform_5, window_bounds = array<i64: 128, 128>}, {pipeline_mode = #tpu.pipeline_mode<synchronous>, transform_indices = @transform_6, window_bounds = array<i64: 1, 128>}, {transform_indices = @transform_7, window_bounds = array<i64: 2, 2048, 128>}]} {
    %get3A = arith.constant 0 : index
    %get3A_0 = arith.constant 0 : index
    %get3A_1 = arith.constant 0 : index
    %get3A_2 = vector.load %arg3[%get3A, %get3A_0, %get3A_1] : memref<2x2048x16xf32, #tpu.memory_space<vmem>>, vector<1x2048x16xf32>
    %get3A_3 = vector.shape_cast %get3A_2 : vector<1x2048x16xf32> to vector<2048x16xf32>
    %get3A_4 = arith.constant 1 : index
    %get3A_5 = arith.constant 0 : index
    %get3A_6 = arith.constant 0 : index
    %get3A_7 = vector.load %arg3[%get3A_4, %get3A_5, %get3A_6] : memref<2x2048x16xf32, #tpu.memory_space<vmem>>, vector<1x2048x16xf32>
    %get3A_8 = vector.shape_cast %get3A_7 : vector<1x2048x16xf32> to vector<2048x16xf32>
    %add3A = arith.addf %get3A_3, %get3A_8 : vector<2048x16xf32>
    %reduce_sum3A = arith.constant dense<0.000000e+00> : vector<2048xf32>
    %reduce_sum3A_9 = vector.multi_reduction <add>, %add3A, %reduce_sum3A [1] : vector<2048x16xf32> to vector<2048xf32>
    %broadcast_in_dim3A = vector.shape_cast %reduce_sum3A_9 : vector<2048xf32> to vector<2048x1xf32>
    %mul3A = arith.constant 6.250000e-02 : f32
    %mul3A_10 = vector.broadcast %mul3A : f32 to vector<2048x1xf32>
    %mul3A_11 = arith.mulf %broadcast_in_dim3A, %mul3A_10 : vector<2048x1xf32>
    %max3A = arith.constant 1.000000e+00 : f32
    %max3A_12 = vector.broadcast %max3A : f32 to vector<2048x1xf32>
    %max3A_13 = arith.maximumf %mul3A_11, %max3A_12 : vector<2048x1xf32>
    %div3A = arith.constant 1.000000e+00 : f32
    %div3A_14 = vector.broadcast %div3A : f32 to vector<2048x1xf32>
    %div3A_15 = arith.divf %div3A_14, %max3A_13 : vector<2048x1xf32>
    %get3A_16 = arith.constant 0 : index
    %get3A_17 = arith.constant 0 : index
    %get3A_18 = vector.load %arg2[%get3A_16, %get3A_17] : memref<2048x32xf32, #tpu.memory_space<vmem>>, vector<2048x32xf32>
    %mul3A_19 = vector.broadcast %div3A_15 : vector<2048x1xf32> to vector<2048x32xf32>
    %mul3A_20 = arith.mulf %get3A_18, %mul3A_19 : vector<2048x32xf32>
    %get3A_21 = arith.constant 0 : index
    %get3A_22 = arith.constant 0 : index
    %get3A_23 = vector.load %arg4[%get3A_21, %get3A_22] : memref<32x128xf32, #tpu.memory_space<vmem>>, vector<32x128xf32>
    %dot_general3A = arith.constant dense<0.000000e+00> : vector<2048x128xf32>
    %dot_general3A_24 = tpu.matmul %mul3A_20, %get3A_23, %dot_general3A {dimension_numbers = #tpu.dot_dimension_numbers<[1], [0], [0], [1], [0, 0, 1, 1], [], []>, transpose_lhs_hint = false} : vector<2048x32xf32>, vector<32x128xf32>, vector<2048x128xf32> -> vector<2048x128xf32>
    %get3A_25 = arith.constant 0 : index
    %get3A_26 = arith.constant 0 : index
    %get3A_27 = vector.load %arg5[%get3A_25, %get3A_26] : memref<1x128xf32, #tpu.memory_space<vmem>>, vector<1x128xf32>
    %add3A_28 = vector.broadcast %get3A_27 : vector<1x128xf32> to vector<2048x128xf32>
    %add3A_29 = arith.addf %dot_general3A_24, %add3A_28 : vector<2048x128xf32>
    %get3A_30 = arith.constant 0 : index
    %get3A_31 = arith.constant 0 : index
    %get3A_32 = vector.load %arg1[%get3A_30, %get3A_31] : memref<2048x128xf32, #tpu.memory_space<vmem>>, vector<2048x128xf32>
    %get3A_33 = arith.constant 0 : index
    %get3A_34 = arith.constant 0 : index
    %get3A_35 = vector.load %arg6[%get3A_33, %get3A_34] : memref<128x128xf32, #tpu.memory_space<vmem>>, vector<128x128xf32>
    %dot_general3A_36 = arith.constant dense<0.000000e+00> : vector<2048x128xf32>
    %dot_general3A_37 = tpu.matmul %get3A_32, %get3A_35, %dot_general3A_36 {dimension_numbers = #tpu.dot_dimension_numbers<[1], [0], [0], [1], [0, 0, 1, 1], [], []>, transpose_lhs_hint = false} : vector<2048x128xf32>, vector<128x128xf32>, vector<2048x128xf32> -> vector<2048x128xf32>
    %add3A_38 = arith.addf %add3A_29, %dot_general3A_37 : vector<2048x128xf32>
    %max3A_39 = arith.constant 0.000000e+00 : f32
    %max3A_40 = vector.broadcast %max3A_39 : f32 to vector<2048x128xf32>
    %max3A_41 = arith.maximumf %add3A_38, %max3A_40 : vector<2048x128xf32>
    %get3A_42 = arith.constant 0 : index
    %get3A_43 = arith.constant 0 : index
    %get3A_44 = vector.load %arg7[%get3A_42, %get3A_43] : memref<1x128xf32, #tpu.memory_space<vmem>>, vector<1x128xf32>
    %add3A_45 = vector.broadcast %get3A_44 : vector<1x128xf32> to vector<2048x128xf32>
    %add3A_46 = arith.addf %max3A_41, %add3A_45 : vector<2048x128xf32>
    %swap3A = arith.constant 0 : index
    %swap3A_47 = arith.constant 0 : index
    %swap3A_48 = arith.constant 0 : index
    %swap3A_49 = vector.load %arg8[%swap3A, %swap3A_47, %swap3A_48] : memref<2x2048x128xf32, #tpu.memory_space<vmem>>, vector<1x2048x128xf32>
    %swap3A_50 = vector.shape_cast %swap3A_49 : vector<1x2048x128xf32> to vector<2048x128xf32>
    %swap3A_51 = vector.shape_cast %add3A_46 : vector<2048x128xf32> to vector<1x2048x128xf32>
    tpu.vector_store %arg8[%swap3A, %swap3A_47, %swap3A_48], %swap3A_51 {strides = array<i32>} : memref<2x2048x128xf32, #tpu.memory_space<vmem>>, vector<1x2048x128xf32>,
    %slice3A = vector.extract_strided_slice %add3A_46 {offsets = [0, 0], sizes = [2048, 64], strides = [1, 1]} : vector<2048x128xf32> to vector<2048x64xf32>
    %broadcast_in_dim3A_52 = arith.constant 0.000000e+00 : f32
    %broadcast_in_dim3A_53 = vector.broadcast %broadcast_in_dim3A_52 : f32 to vector<2048x64xf32>
    %concatenate3A = tpu.concatenate %broadcast_in_dim3A_53, %slice3A in 1 : vector<2048x64xf32>, vector<2048x64xf32> -> vector<2048x128xf32>
    %swap3A_54 = arith.constant 1 : index
    %swap3A_55 = arith.constant 0 : index
    %swap3A_56 = arith.constant 0 : index
    %swap3A_57 = vector.load %arg8[%swap3A_54, %swap3A_55, %swap3A_56] : memref<2x2048x128xf32, #tpu.memory_space<vmem>>, vector<1x2048x128xf32>
    %swap3A_58 = vector.shape_cast %swap3A_57 : vector<1x2048x128xf32> to vector<2048x128xf32>
    %swap3A_59 = vector.shape_cast %concatenate3A : vector<2048x128xf32> to vector<1x2048x128xf32>
    tpu.vector_store %arg8[%swap3A_54, %swap3A_55, %swap3A_56], %swap3A_59 {strides = array<i32>} : memref<2x2048x128xf32, #tpu.memory_space<vmem>>, vector<1x2048x128xf32>,
    return
  }
  func.func @transform_0(%arg0: i32) -> (i32, i32) {
    %c0_i32 = arith.constant 0 : i32
    %c0_i32_0 = arith.constant 0 : i32
    return %arg0, %c0_i32 : i32, i32
  }
  func.func @transform_1(%arg0: i32) -> (i32, i32) {
    %c0_i32 = arith.constant 0 : i32
    %c0_i32_0 = arith.constant 0 : i32
    return %arg0, %c0_i32 : i32, i32
  }
  func.func @transform_2(%arg0: i32) -> (i32, i32, i32) {
    %c0_i32 = arith.constant 0 : i32
    %c0_i32_0 = arith.constant 0 : i32
    %c0_i32_1 = arith.constant 0 : i32
    return %c0_i32, %arg0, %c0_i32_0 : i32, i32, i32
  }
  func.func @transform_3(%arg0: i32) -> (i32, i32) {
    %c0_i32 = arith.constant 0 : i32
    %c0_i32_0 = arith.constant 0 : i32
    %c0_i32_1 = arith.constant 0 : i32
    return %c0_i32, %c0_i32_0 : i32, i32
  }
  func.func @transform_4(%arg0: i32) -> (i32, i32) {
    %c0_i32 = arith.constant 0 : i32
    %c0_i32_0 = arith.constant 0 : i32
    %c0_i32_1 = arith.constant 0 : i32
    return %c0_i32, %c0_i32_0 : i32, i32
  }
  func.func @transform_5(%arg0: i32) -> (i32, i32) {
    %c0_i32 = arith.constant 0 : i32
    %c0_i32_0 = arith.constant 0 : i32
    %c0_i32_1 = arith.constant 0 : i32
    return %c0_i32, %c0_i32_0 : i32, i32
  }
  func.func @transform_6(%arg0: i32) -> (i32, i32) {
    %c0_i32 = arith.constant 0 : i32
    %c0_i32_0 = arith.constant 0 : i32
    %c0_i32_1 = arith.constant 0 : i32
    return %c0_i32, %c0_i32_0 : i32, i32
  }
  func.func @transform_7(%arg0: i32) -> (i32, i32, i32) {
    %c0_i32 = arith.constant 0 : i32
    %c0_i32_0 = arith.constant 0 : i32
    %c0_i32_1 = arith.constant 0 : i32
    return %c0_i32, %arg0, %c0_i32_0 : i32, i32, i32
  }
}

module attributes {stable_mosaic.version = 14 : i64} {
  func.func @body(%arg0: i32, %arg1: memref<2048x128xf32, #tpu.memory_space<vmem>>, %arg2: memref<2048x64xf32, #tpu.memory_space<vmem>>, %arg3: memref<2x2048x16xf32, #tpu.memory_space<vmem>>, %arg4: memref<64x128xf32, #tpu.memory_space<vmem>>, %arg5: memref<1x128xf32, #tpu.memory_space<vmem>>, %arg6: memref<128x128xf32, #tpu.memory_space<vmem>>, %arg7: memref<1x128xf32, #tpu.memory_space<vmem>>, %arg8: memref<1x2048x128xf32, #tpu.memory_space<vmem>>) attributes {dimension_semantics = [#tpu.dimension_semantics<arbitrary>], iteration_bounds = array<i64: 56>, scalar_prefetch = 0 : i64, scratch_operands = 0 : i64, tpu.core_type = #tpu.core_type<tc>, window_params = [{transform_indices = @transform_0, window_bounds = array<i64: 2048, 128>}, {transform_indices = @transform_1, window_bounds = array<i64: 2048, 64>}, {transform_indices = @transform_2, window_bounds = array<i64: 2, 2048, 16>}, {pipeline_mode = #tpu.pipeline_mode<synchronous>, transform_indices = @transform_3, window_bounds = array<i64: 64, 128>}, {pipeline_mode = #tpu.pipeline_mode<synchronous>, transform_indices = @transform_4, window_bounds = array<i64: 1, 128>}, {pipeline_mode = #tpu.pipeline_mode<synchronous>, transform_indices = @transform_5, window_bounds = array<i64: 128, 128>}, {pipeline_mode = #tpu.pipeline_mode<synchronous>, transform_indices = @transform_6, window_bounds = array<i64: 1, 128>}, {transform_indices = @transform_7, window_bounds = array<i64: 1, 2048, 128>}]} {
    %get3A = arith.constant 0 : index
    %get3A_0 = arith.constant 0 : index
    %get3A_1 = arith.constant 0 : index
    %get3A_2 = vector.load %arg3[%get3A, %get3A_0, %get3A_1] : memref<2x2048x16xf32, #tpu.memory_space<vmem>>, vector<1x2048x16xf32>
    %get3A_3 = vector.shape_cast %get3A_2 : vector<1x2048x16xf32> to vector<2048x16xf32>
    %get3A_4 = arith.constant 1 : index
    %get3A_5 = arith.constant 0 : index
    %get3A_6 = arith.constant 0 : index
    %get3A_7 = vector.load %arg3[%get3A_4, %get3A_5, %get3A_6] : memref<2x2048x16xf32, #tpu.memory_space<vmem>>, vector<1x2048x16xf32>
    %get3A_8 = vector.shape_cast %get3A_7 : vector<1x2048x16xf32> to vector<2048x16xf32>
    %add3A = arith.addf %get3A_3, %get3A_8 : vector<2048x16xf32>
    %reduce_sum3A = arith.constant dense<0.000000e+00> : vector<2048xf32>
    %reduce_sum3A_9 = vector.multi_reduction <add>, %add3A, %reduce_sum3A [1] : vector<2048x16xf32> to vector<2048xf32>
    %broadcast_in_dim3A = vector.shape_cast %reduce_sum3A_9 : vector<2048xf32> to vector<2048x1xf32>
    %mul3A = arith.constant 6.250000e-02 : f32
    %mul3A_10 = vector.broadcast %mul3A : f32 to vector<2048x1xf32>
    %mul3A_11 = arith.mulf %broadcast_in_dim3A, %mul3A_10 : vector<2048x1xf32>
    %max3A = arith.constant 1.000000e+00 : f32
    %max3A_12 = vector.broadcast %max3A : f32 to vector<2048x1xf32>
    %max3A_13 = arith.maximumf %mul3A_11, %max3A_12 : vector<2048x1xf32>
    %div3A = arith.constant 1.000000e+00 : f32
    %div3A_14 = vector.broadcast %div3A : f32 to vector<2048x1xf32>
    %div3A_15 = arith.divf %div3A_14, %max3A_13 : vector<2048x1xf32>
    %get3A_16 = arith.constant 0 : index
    %get3A_17 = arith.constant 0 : index
    %get3A_18 = vector.load %arg2[%get3A_16, %get3A_17] : memref<2048x64xf32, #tpu.memory_space<vmem>>, vector<2048x64xf32>
    %mul3A_19 = vector.broadcast %div3A_15 : vector<2048x1xf32> to vector<2048x64xf32>
    %mul3A_20 = arith.mulf %get3A_18, %mul3A_19 : vector<2048x64xf32>
    %get3A_21 = arith.constant 0 : index
    %get3A_22 = arith.constant 0 : index
    %get3A_23 = vector.load %arg4[%get3A_21, %get3A_22] : memref<64x128xf32, #tpu.memory_space<vmem>>, vector<64x128xf32>
    %dot_general3A = arith.constant dense<0.000000e+00> : vector<2048x128xf32>
    %dot_general3A_24 = tpu.matmul %mul3A_20, %get3A_23, %dot_general3A {dimension_numbers = #tpu.dot_dimension_numbers<[1], [0], [0], [1], [0, 0, 1, 1], [], []>, transpose_lhs_hint = false} : vector<2048x64xf32>, vector<64x128xf32>, vector<2048x128xf32> -> vector<2048x128xf32>
    %get3A_25 = arith.constant 0 : index
    %get3A_26 = arith.constant 0 : index
    %get3A_27 = vector.load %arg5[%get3A_25, %get3A_26] : memref<1x128xf32, #tpu.memory_space<vmem>>, vector<1x128xf32>
    %add3A_28 = vector.broadcast %get3A_27 : vector<1x128xf32> to vector<2048x128xf32>
    %add3A_29 = arith.addf %dot_general3A_24, %add3A_28 : vector<2048x128xf32>
    %get3A_30 = arith.constant 0 : index
    %get3A_31 = arith.constant 0 : index
    %get3A_32 = vector.load %arg1[%get3A_30, %get3A_31] : memref<2048x128xf32, #tpu.memory_space<vmem>>, vector<2048x128xf32>
    %get3A_33 = arith.constant 0 : index
    %get3A_34 = arith.constant 0 : index
    %get3A_35 = vector.load %arg6[%get3A_33, %get3A_34] : memref<128x128xf32, #tpu.memory_space<vmem>>, vector<128x128xf32>
    %dot_general3A_36 = arith.constant dense<0.000000e+00> : vector<2048x128xf32>
    %dot_general3A_37 = tpu.matmul %get3A_32, %get3A_35, %dot_general3A_36 {dimension_numbers = #tpu.dot_dimension_numbers<[1], [0], [0], [1], [0, 0, 1, 1], [], []>, transpose_lhs_hint = false} : vector<2048x128xf32>, vector<128x128xf32>, vector<2048x128xf32> -> vector<2048x128xf32>
    %add3A_38 = arith.addf %add3A_29, %dot_general3A_37 : vector<2048x128xf32>
    %max3A_39 = arith.constant 0.000000e+00 : f32
    %max3A_40 = vector.broadcast %max3A_39 : f32 to vector<2048x128xf32>
    %max3A_41 = arith.maximumf %add3A_38, %max3A_40 : vector<2048x128xf32>
    %get3A_42 = arith.constant 0 : index
    %get3A_43 = arith.constant 0 : index
    %get3A_44 = vector.load %arg7[%get3A_42, %get3A_43] : memref<1x128xf32, #tpu.memory_space<vmem>>, vector<1x128xf32>
    %add3A_45 = vector.broadcast %get3A_44 : vector<1x128xf32> to vector<2048x128xf32>
    %add3A_46 = arith.addf %max3A_41, %add3A_45 : vector<2048x128xf32>
    %swap3A = arith.constant 0 : index
    %swap3A_47 = arith.constant 0 : index
    %swap3A_48 = arith.constant 0 : index
    %swap3A_49 = vector.load %arg8[%swap3A, %swap3A_47, %swap3A_48] : memref<1x2048x128xf32, #tpu.memory_space<vmem>>, vector<1x2048x128xf32>
    %swap3A_50 = vector.shape_cast %swap3A_49 : vector<1x2048x128xf32> to vector<2048x128xf32>
    %swap3A_51 = vector.shape_cast %add3A_46 : vector<2048x128xf32> to vector<1x2048x128xf32>
    tpu.vector_store %arg8[%swap3A, %swap3A_47, %swap3A_48], %swap3A_51 {strides = array<i32>} : memref<1x2048x128xf32, #tpu.memory_space<vmem>>, vector<1x2048x128xf32>,
    return
  }
  func.func @transform_0(%arg0: i32) -> (i32, i32) {
    %c0_i32 = arith.constant 0 : i32
    %c0_i32_0 = arith.constant 0 : i32
    return %arg0, %c0_i32 : i32, i32
  }
  func.func @transform_1(%arg0: i32) -> (i32, i32) {
    %c0_i32 = arith.constant 0 : i32
    %c0_i32_0 = arith.constant 0 : i32
    return %arg0, %c0_i32 : i32, i32
  }
  func.func @transform_2(%arg0: i32) -> (i32, i32, i32) {
    %c0_i32 = arith.constant 0 : i32
    %c0_i32_0 = arith.constant 0 : i32
    %c0_i32_1 = arith.constant 0 : i32
    return %c0_i32, %arg0, %c0_i32_0 : i32, i32, i32
  }
  func.func @transform_3(%arg0: i32) -> (i32, i32) {
    %c0_i32 = arith.constant 0 : i32
    %c0_i32_0 = arith.constant 0 : i32
    %c0_i32_1 = arith.constant 0 : i32
    return %c0_i32, %c0_i32_0 : i32, i32
  }
  func.func @transform_4(%arg0: i32) -> (i32, i32) {
    %c0_i32 = arith.constant 0 : i32
    %c0_i32_0 = arith.constant 0 : i32
    %c0_i32_1 = arith.constant 0 : i32
    return %c0_i32, %c0_i32_0 : i32, i32
  }
  func.func @transform_5(%arg0: i32) -> (i32, i32) {
    %c0_i32 = arith.constant 0 : i32
    %c0_i32_0 = arith.constant 0 : i32
    %c0_i32_1 = arith.constant 0 : i32
    return %c0_i32, %c0_i32_0 : i32, i32
  }
  func.func @transform_6(%arg0: i32) -> (i32, i32) {
    %c0_i32 = arith.constant 0 : i32
    %c0_i32_0 = arith.constant 0 : i32
    %c0_i32_1 = arith.constant 0 : i32
    return %c0_i32, %c0_i32_0 : i32, i32
  }
  func.func @transform_7(%arg0: i32) -> (i32, i32, i32) {
    %c0_i32 = arith.constant 0 : i32
    %c0_i32_0 = arith.constant 0 : i32
    %c0_i32_1 = arith.constant 0 : i32
    return %c0_i32, %arg0, %c0_i32_0 : i32, i32, i32
  }
}

module attributes {stable_mosaic.version = 14 : i64} {
  func.func @body(%arg0: memref<2x1024x128xf32, #tpu.memory_space<vmem>>, %arg1: memref<128x128xf32, #tpu.memory_space<vmem>>, %arg2: memref<1x128xf32, #tpu.memory_space<vmem>>, %arg3: memref<1x128xf32, #tpu.memory_space<vmem>>, %arg4: memref<1x128xf32, #tpu.memory_space<vmem>>, %arg5: memref<1024x128xf32, #tpu.memory_space<vmem>>) attributes {dimension_semantics = [], scalar_prefetch = 0 : i64, scratch_operands = 0 : i64, tpu.core_type = #tpu.core_type<tc>} {
    %get3A = arith.constant 0 : index
    %get3A_0 = arith.constant 0 : index
    %get3A_1 = arith.constant 0 : index
    %get3A_2 = vector.load %arg0[%get3A, %get3A_0, %get3A_1] : memref<2x1024x128xf32, #tpu.memory_space<vmem>>, vector<1x1024x128xf32>
    %get3A_3 = vector.shape_cast %get3A_2 : vector<1x1024x128xf32> to vector<1024x128xf32>
    %get3A_4 = arith.constant 1 : index
    %get3A_5 = arith.constant 0 : index
    %get3A_6 = arith.constant 0 : index
    %get3A_7 = vector.load %arg0[%get3A_4, %get3A_5, %get3A_6] : memref<2x1024x128xf32, #tpu.memory_space<vmem>>, vector<1x1024x128xf32>
    %get3A_8 = vector.shape_cast %get3A_7 : vector<1x1024x128xf32> to vector<1024x128xf32>
    %add3A = arith.addf %get3A_3, %get3A_8 : vector<1024x128xf32>
    %get3A_9 = arith.constant 0 : index
    %get3A_10 = arith.constant 0 : index
    %get3A_11 = vector.load %arg4[%get3A_9, %get3A_10] : memref<1x128xf32, #tpu.memory_space<vmem>>, vector<1x128xf32>
    %mul3A = vector.broadcast %get3A_11 : vector<1x128xf32> to vector<1024x128xf32>
    %mul3A_12 = arith.mulf %add3A, %mul3A : vector<1024x128xf32>
    %reduce_sum3A = arith.constant dense<0.000000e+00> : vector<1024xf32>
    %reduce_sum3A_13 = vector.multi_reduction <add>, %mul3A_12, %reduce_sum3A [1] : vector<1024x128xf32> to vector<1024xf32>
    %broadcast_in_dim3A = vector.shape_cast %reduce_sum3A_13 : vector<1024xf32> to vector<1024x1xf32>
    %get3A_14 = arith.constant 0 : index
    %get3A_15 = arith.constant 0 : index
    %get3A_16 = vector.load %arg3[%get3A_14, %get3A_15] : memref<1x128xf32, #tpu.memory_space<vmem>>, vector<1x128xf32>
    %mul3A_17 = vector.broadcast %get3A_16 : vector<1x128xf32> to vector<1024x128xf32>
    %mul3A_18 = arith.mulf %add3A, %mul3A_17 : vector<1024x128xf32>
    %max3A = arith.constant 1.000000e+00 : f32
    %max3A_19 = vector.broadcast %max3A : f32 to vector<1024x1xf32>
    %max3A_20 = arith.maximumf %broadcast_in_dim3A, %max3A_19 : vector<1024x1xf32>
    %div3A = vector.broadcast %max3A_20 : vector<1024x1xf32> to vector<1024x128xf32>
    %div3A_21 = arith.divf %mul3A_18, %div3A : vector<1024x128xf32>
    %get3A_22 = arith.constant 0 : index
    %get3A_23 = arith.constant 0 : index
    %get3A_24 = vector.load %arg1[%get3A_22, %get3A_23] : memref<128x128xf32, #tpu.memory_space<vmem>>, vector<128x128xf32>
    %dot_general3A = arith.constant dense<0.000000e+00> : vector<1024x128xf32>
    %dot_general3A_25 = tpu.matmul %div3A_21, %get3A_24, %dot_general3A {dimension_numbers = #tpu.dot_dimension_numbers<[1], [0], [0], [1], [0, 0, 1, 1], [], []>, transpose_lhs_hint = false} : vector<1024x128xf32>, vector<128x128xf32>, vector<1024x128xf32> -> vector<1024x128xf32>
    %get3A_26 = arith.constant 0 : index
    %get3A_27 = arith.constant 0 : index
    %get3A_28 = vector.load %arg2[%get3A_26, %get3A_27] : memref<1x128xf32, #tpu.memory_space<vmem>>, vector<1x128xf32>
    %add3A_29 = vector.broadcast %get3A_28 : vector<1x128xf32> to vector<1024x128xf32>
    %add3A_30 = arith.addf %dot_general3A_25, %add3A_29 : vector<1024x128xf32>
    %swap3A = arith.constant 0 : index
    %swap3A_31 = arith.constant 0 : index
    %swap3A_32 = vector.load %arg5[%swap3A, %swap3A_31] : memref<1024x128xf32, #tpu.memory_space<vmem>>, vector<1024x128xf32>
    tpu.vector_store %arg5[%swap3A, %swap3A_31], %add3A_30 {strides = array<i32>} : memref<1024x128xf32, #tpu.memory_space<vmem>>, vector<1024x128xf32>,
    return
  }
}

</mosaic_0001>

<sc_bundles>
// kernel: kernel.10.cloned.1.call-start
scs
__scs_entry_jumppad:
0x0: {  	(pc) =	sbr.rel $0x88, $3  }
0x1: {  	(tag) =	ssettag $0x0;
	lr =	simm.s32 $0x1  }
0x2: {  	[smem:$0x3F93] =	sst lr;
	_ =	strace $0xD0000000  }
0x3: {  	_ = 	snop  }
0x4: {  	_ = 	snop  }
0x5: {  	_ = 	snop  }
0x6: {  	_ = 	snop  }
0x7: {  	_ = 	snop  }
__scs_overlays_trampoline_lowered:
0x8: {  	[smem:$0x3FA2] =	sst s0  }
0x9: {  	[smem:$0x3FA3] =	sst s1  }
0xa: {  	[smem:$0x3FA4] =	sst s2  }
0xb: {  	[smem:$0x3FA5] =	sst s3  }
0xc: {  	[smem:$0x3FA6] =	sst s4  }
0xd: {  	[smem:$0x3FA7] =	sst s5  }
0xe: {  	[smem:$0x3FA8] =	sst s6  }
0xf: {  	[smem:$0x3FA9] =	sst s7  }
0x10: {  	[smem:$0x3FAA] =	sst s8  }
0x11: {  	[smem:$0x3FAB] =	sst s9;
	s0 =	simm.s32 @!p0 $0x0  }
0x12: {  	s1 =	sld [smem:$0x3F91];
	s0 =	simm.s32 @p0 $0x1  }
0x13: {  	[smem:$0x3FAC] =	sst s0;
	s0 =	simm.s32 @!p1 $0x0  }
0x14: {  	s2 =	sld [smem:$0x3F90];
	s0 =	simm.s32 @p1 $0x1  }
0x15: {  	[smem:$0x3FAD] =	sst s0;
	s0 =	simm.s32 @!p2 $0x0  }
0x16: {  	s3 =	sld [smem:$0x3FDB];
	s0 =	simm.s32 @p2 $0x1  }
0x17: {  	s4 =	simm.s32 $0x1BF5;
	[smem:$0x3FAF] =	sst s0  }
0x18: {  	s0 =	sld [smem:$0x3F92];
	_ =	swait.ge [sflag:s4], $0x0  }
0x19: {  	s7 =	sld [smem:$0x3F93]  }
0x1a: {  	s8 =	sadd.s32 $0xFFFFE003, lr  }
0x1b: {  	s9 =	sadd.s32 $0xFFFFFEF7, lr;
	s5 =	simm.s32 $0xFFFFFFFF;
	p2 =	slt.u32 s8, $0xFFFFF086  }
0x1c: {  	p1 =	slt.u32 s9, $0xF7A;
	s5 =	simm.s32 @!p2 $0x0  }
0x1d: {  	s5 =	simm.s32 @p1 $0x1;
	p0 =	seq.s32 s7, s2  }
0x1e: {  	s7 =	smul.u32 @!p0 $0xF7A, s2;
	p2 =	seq.s32 @!p0 s5, $0x0  }
0x1f: {  	s9 =	smul.u32 $0xF7A, s1;
	s8 =	simm.s32 @!p0 $0x1BF5;
	p2 =	por !p2, p0  }
0x20: {  	[sflag:s8] =	ssyncset.s32 @!p0 $0xFFFFF086;
	s6 =	sadd.s32 @!p0 s3, s7;
	s7 =	simm.s32 @!p0 $0x108  }
0x21: {  	s3 =	sadd.s32 s3, s9;
	s6 =	sadd.s32 @!p0 $0x88, s6;
	s7 =	simm.s32 @p2 $0x1082  }
0x22: {  	[simem:s7], [sflag:s8] =	dma.local @!p0 [hbm:s6], $0xF7A  }
0x23: {  	s9 =	sor.u32 $0xD0000000, s2;
	s6 =	simm.s32 $0x108;
	_ =	swait.ge @!p0 [sflag:s8], $0x0  }
0x24: {  	s3 =	sadd.s32 $0x88, s3;
	s6 =	simm.s32 @!p1 $0x1082;
	[sflag:s4] =	ssyncset.s32 $0xFFFFF086  }
0x25: {  	[simem:s6], [sflag:s4] =	dma.local [hbm:s3], $0xF7A  }
0x26: {  	[smem:$0x3F93] =	sst s1;
	(tag) =	ssettag s2;
	_ =	strace s9  }
0x27: {  	s1 =	sld [smem:$0x3FA3]  }
0x28: {  	s2 =	sld [smem:$0x3FA4]  }
0x29: {  	s4 =	sld [smem:$0x3FA6]  }
0x2a: {  	p0 =	seq.s32 s5, $0x0;
	s5 =	sld [smem:$0x3FA7]  }
0x2b: {  	s6 =	sld [smem:$0x3FA8]  }
0x2c: {  	s7 =	sld [smem:$0x3FA9]  }
0x2d: {  	s3 =	simm.s32 $0x108;
	s8 =	sld [smem:$0x3FAA]  }
0x2e: {  	s3 =	simm.s32 @!p0 $0x1082;
	s9 =	sld [smem:$0x3FAB]  }
0x2f: {  	lr =	sadd.s32 s0, s3;
	s0 =	sld [smem:$0x3FA2]  }
0x30: {  	s3 =	sld [smem:$0x3FA5]  }
0x31: {  	[smem:$0x3FAE] =	sst s10  }
0x32: {  	s10 =	sld [smem:$0x3FAC];
	_ =	sdelay $0x3  }
0x33: {  	p0 =	seq.s32 s10, $0x1;
	s10 =	sld [smem:$0x3FAE];
	_ =	sdelay $0x3  }
0x34: {  	[smem:$0x3FAE] =	sst s10  }
0x35: {  	s10 =	sld [smem:$0x3FAD];
	_ =	sdelay $0x3  }
0x36: {  	p1 =	seq.s32 s10, $0x1;
	s10 =	sld [smem:$0x3FAE];
	_ =	sdelay $0x3  }
0x37: {  	[smem:$0x3FAE] =	sst s10  }
0x38: {  	s10 =	sld [smem:$0x3FAF]  }
0x39: {  	_ = 	snop;
	(pc) =	sbr.ind lr, $3  }
0x3a: {  	_ = 	snop  }
0x3b: {  	_ = 	snop  }
0x3c: {  	p2 =	seq.s32 s10, $0x1;
	s10 =	sld [smem:$0x3FAE]  }
0x3d: {  	_ =	shalt  }
0x3e: {  	_ =	shalt  }
0x3f: {  	_ =	shalt  }
0x40: {  	_ =	shalt  }
0x41: {  	_ =	shalt  }
0x42: {  	_ =	shalt  }
0x43: {  	_ =	shalt  }
0x44: {  	_ =	shalt  }
0x45: {  	_ =	shalt  }
0x46: {  	_ =	shalt  }
0x47: {  	_ =	shalt  }
0x48: {  	_ =	shalt  }
0x49: {  	_ =	shalt  }
0x4a: {  	_ =	shalt  }
0x4b: {  	_ =	shalt  }
0x4c: {  	_ =	shalt  }
0x4d: {  	_ =	shalt  }
0x4e: {  	_ =	shalt  }
0x4f: {  	_ =	shalt  }
0x50: {  	_ =	shalt  }
0x51: {  	_ =	shalt  }
0x52: {  	_ =	shalt  }
0x53: {  	_ =	shalt  }
0x54: {  	_ =	shalt  }
0x55: {  	_ =	shalt  }
0x56: {  	_ =	shalt  }
0x57: {  	_ =	shalt  }
0x58: {  	_ =	shalt  }
0x59: {  	_ =	shalt  }
0x5a: {  	_ =	shalt  }
0x5b: {  	_ =	shalt  }
0x5c: {  	_ =	shalt  }
0x5d: {  	_ =	shalt  }
0x5e: {  	_ =	shalt  }
0x5f: {  	_ =	shalt  }
0x60: {  	_ =	shalt  }
0x61: {  	_ =	shalt  }
0x62: {  	_ =	shalt  }
0x63: {  	_ =	shalt  }
0x64: {  	_ =	shalt  }
0x65: {  	_ =	shalt  }
0x66: {  	_ =	shalt  }
0x67: {  	_ =	shalt  }
0x68: {  	_ =	shalt  }
0x69: {  	_ =	shalt  }
0x6a: {  	_ =	shalt  }
0x6b: {  	_ =	shalt  }
0x6c: {  	_ =	shalt  }
0x6d: {  	_ =	shalt  }
0x6e: {  	_ =	shalt  }
0x6f: {  	_ =	shalt  }
0x70: {  	_ =	shalt  }
0x71: {  	_ =	shalt  }
0x72: {  	_ =	shalt  }
0x73: {  	_ =	shalt  }
0x74: {  	_ =	shalt  }
0x75: {  	_ =	shalt  }
0x76: {  	_ =	shalt  }
0x77: {  	_ =	shalt  }
0x78: {  	_ =	shalt  }
0x79: {  	_ =	shalt  }
0x7a: {  	_ =	shalt  }
0x7b: {  	_ =	shalt  }
0x7c: {  	_ =	shalt  }
0x7d: {  	_ =	shalt  }
0x7e: {  	_ =	shalt  }
0x7f: {  	_ =	shalt  }
0x80: {  	_ =	shalt  }
0x81: {  	_ =	shalt  }
0x82: {  	_ =	shalt  }
0x83: {  	_ =	shalt  }
0x84: {  	_ =	shalt  }
0x85: {  	_ =	shalt  }
0x86: {  	_ =	shalt  }
0x87: {  	_ =	shalt  }
.Lfunc_end0:
.L_simem_size_0:
called_computation_lowered:
.L_overlay_start_0:
0x88: {  	s2 =	sld [smem:$0x3FD9]  }
0x89: {  	s3 =	sld [smem:$0x3FFE];
	_ =	sdelay $0x1  }
0x8a: {  	s1 =	srdreg.scid  }
0x8b: {  	s0 =	sand.u32 $0x1, s1  }
0x8c: {  	s16 =	sshll.u32 s0, $0xA;
	s2 =	sadd.s32 s3, s2  }
0x8d: {  	s2 =	sadd.s32 s2, s16  }
0x8e: {  	[smem:$0x3FBA] =	sst s2  }
0x8f: {  	_ = 	snop  }
0x90: {  	(tm) =	ssettm $0x1  }
0x91: {  	s17 =	sld [smem:$0x3FFB];
	_ =	sdelay $0x3  }
0x92: {  	_ =	strace s17  }
0x93: {  	s2 =	sld [smem:$0x3FFC];
	_ =	sdelay $0x3  }
0x94: {  	_ =	strace s2  }
0x95: {  	s2 =	sld [smem:$0x3FFD];
	_ =	sdelay $0x3  }
0x96: {  	_ =	strace s2  }
0x97: {  	_ =	strace $0x8FFFFFFF  }
0x98: {  	s18 =	sld [smem:$0x3FDB];
	_ =	sdelay $0x1  }
0x99: {  	s19 =	simm.s32 $_scs_section_size  }
0x9a: {  	s4 =	simm.s32 $_size__tile_overlayer_lowered;
	s5 =	simm.s32 $_tile_overlayer_lowered  }
0x9b: {  	s22 =	simm.s32 $0x1BFF;
	s21 =	sshll.u32 s5, $0x1;
	s2 =	sadd.s32 s19, s18  }
0x9c: {  	s6 =	simm.s32 $0x0;
	s20 =	sshll.u32 s4, $0x1;
	s4 =	sadd.s32 s21, s2  }
0x9d: {  	[timem:s6], [sflag:s22] =	dma.local [hbm:s4], s20  }
0x9e: {  	_ =	swait.ge [sflag:s22], s20  }
0x9f: {  	s3 =	ssub.s32 $0x0, s20;
	[sflag:s22] =	ssyncset.done $0x0  }
0xa0: {  	[sflag:s22] =	ssyncadd.s32 s3;
	_ =	sdelay $0x1  }
0xa1: {  	s23 =	simm.s32 $0x1B8B  }
0xa2: {  	_ =	swait.ge [sflag:s23], $0x1  }
0xa3: {  	[sflag:s23] =	ssyncset.done $0x0  }
0xa4: {  	s25 =	simm.s32 $0x1B8E;
	s24 =	sld [smem:$0x3FFE];
	[sflag:s23] =	ssyncadd.s32 $0xFFFFFFFF  }
0xa5: {  	s26 =	simm.s32 $execute0_lowered;
	[smem:$0x3FD2] =	sst s25  }
0xa6: {  	s4 =	sshll.u32 s26, $0x1;
	_ =	strace $0x80000046;
	[dreg:$0x1] =	wrdreg $0xFFFFFFFF  }
0xa7: {  	s28 =	simm.s32 $_size_execute0_lowered;
	s2 =	sadd.s32 s2, s4;
	[dreg:$0x0] =	wrdreg $0x0  }
0xa8: {  	s4 =	sshll.u32 s28, $0x1;
	[dreg:$0x2] =	wrdreg s2  }
0xa9: {  	[dreg:$0x3] =	wrdreg s4  }
0xaa: {  	[dreg:$0x4] =	wrdreg $0xC0  }
0xab: {  	_ =	task [dreg:s6], $0x5FFFF  }
0xac: {  	[dreg:$0x1] =	wrdreg $0xFFFFFFFF  }
0xad: {  	[dreg:$0x0] =	wrdreg $0x60  }
0xae: {  	[dreg:$0x2] =	wrdreg s24  }
0xaf: {  	[dreg:$0x3] =	wrdreg $0xA  }
0xb0: {  	_ =	task.clear_ibuf [dreg:s6], $0x4FFFF;
	_ =	strace $0x90000046  }
0xb1: {  	s29 =	simm.s32 $0xA;
	_ =	strace $0x80000048  }
0xb2: {  	_ =	swait.ge [sflag:s29], $0x1  }
0xb3: {  	[sflag:s29] =	ssyncadd.s32 $0xFFFFFFFF  }
0xb4: {  	_ =	strace $0x90000048  }
0xb5: {  	_ =	sfence  }
0xb6: {  	s30 =	sld [smem:$0x0];
	_ =	sdelay $0x2  }
0xb7: {  	s31 =	sshll.u32 s1, $0xD;
	s1 =	sshrl.u32 s1, $0x2  }
0xb8: {  	s3 =	sand.u32 $0x4000, s31;
	s1 =	sadd.s32 s1, s30  }
0xb9: {  	s0 =	sor.u32 s3, s0;
	s1 =	sshll.u32 s1, $0x11  }
0xba: {  	s0 =	sor.u32 s1, s0  }
0xbb: {  	s0 =	sadd.s32 $0x8F2B, s0  }
0xbc: {  	[sflag:s0] =	ssyncadd.remote.s32 $0x1  }
0xbd: {  	_ =	sfence.sel $0xFFFF  }
0xbe: {  	[dreg:$0x0] =	wrdreg $0xFFFFFFFF;
	(pc) =	sbr.abs _section_cstart, $3  }
0xbf: {  	[dreg:$0x1] =	wrdreg $0xFFFFFFFF  }
0xc0: {  	_ =	task.clear_ibuf [dreg:s6], $0x2FFFF;
	_ =	strace $0x9FFFFFFF  }
0xc1: {  	(tm) =	ssettm $0x7FFFFFFF  }
tec
execute0_lowered:
.L_overlay_start_1:
0x0: {  	(tag) =	ssettag $0x1  }
0x1: {  	s4 =	rddreg [dreg:$0x0]  }
0x2: {  	s0 =	rddreg [dreg:$0x1];
	s2 =	simm.s32 $0x0;
	s1 =	stileid.u32  }
0x3: {  	s3 =	srdreg.scid;
	s10 =	simm.s32 $0x0;
	s6 =	smul.u32 $0x7000, s1  }
0x4: {  	[smem:$0x7FF] =	sst s2;
	s5 =	sand.u32 $0x1, s3;
	s8 =	smul.u32 $0x70000, s1  }
0x5: {  	s3 =	sadd.s32 $0xFE00, s4;
	s7 =	smul.u32 $0x3800, s5;
	s9 =	ssub.s32 $0x2, s5  }
0x6: {  	_ =	strace $0x80000047;
	s5 =	smul.u32 $0x38000, s5;
	s31 =	sshrl.u32 s9, $0x1  }
0x7: {  	s8 =	sadd.s32 s8, s4;
	s6 =	sadd.s32 s7, s6;
	s7 =	ssub.s32 s9, s31  }
0x8: {  	s5 =	sadd.s32 s5, s8;
	s8 =	simm.s32 $0x80;
	s6 =	sshrl.u32 s6, $0x3  }
0x9: {  	s9 =	simm.s32 $0x1;
	s5 =	sadd.s32 $0x1FE00, s5;
	s6 =	sadd.s32 s6, s4  }
0xa: {  	s4 =	smax.u32 s7, $0x1;
	s7 =	simm.s32 $0x2;
	s6 =	sadd.s32 $0x1E00, s6  }
.LBB2_1:
0xb: {  	s11 =	sadd.s32 $0x0, s6  }
0xc: {  	[tilespmem:s2], [sflag:$0x2] =	stream.linear.gather [hbm4b:s11+s2], $0x80, $0x38;
	[tilespmem:$0x4080] =	vst v63  }
0xd: {  	_ =	swait.ge [sflag:s7], $0x80  }
0xe: {  	[sflag:s7] =	ssyncset.done $0x0  }
0xf: {  	[sflag:s7] =	ssyncadd.s32 $0xFFFFFF80  }
0x10: {  	[tilespmem:s8], [sflag:$0x1] =	stream.indirect.gather [hbm4b:s3+s8], $0x80, s2, s8, $0xb8;
	[tilespmem:$0x4080] =	vst v63  }
0x11: {  	_ =	swait.ge [sflag:s9], $0x4000  }
0x12: {  	[sflag:s9] =	ssyncset.done $0x0  }
0x13: {  	[sflag:s9] =	ssyncadd.s32 $0xFFFFC000  }
0x14: {  	[hbm4b:s5+s2] =	stream.linear.scatter [tilespmem:s8], [sflag:$0x2], $0x4000, $0x38;
	[tilespmem:$0x4080] =	vst v63  }
0x15: {  	s12 =	simm.s32 $0x10;
	_ =	swait.ge [sflag:s7], $0x4000  }
0x16: {  	s13 =	simm.s32 $0x20;
	s11 =	sadd.s32 $0x800, s5;
	[sflag:s7] =	ssyncset.done $0x0  }
.LBB2_2:
0x17: {  	s14 =	sadd.s32 s12, s6  }
0x18: {  	[sflag:s7] =	ssyncadd.s32 $0xFFFFC000;
	s12 =	smov.u32 s13;
	s15 =	sadd.s32 $0x10, s13  }
0x19: {  	[tilespmem:s2], [sflag:$0x2] =	stream.linear.gather [hbm4b:s14+s2], $0x80, $0x38;
	[tilespmem:$0x4080] =	vst v63  }
0x1a: {  	p0 =	sne.s32 s13, $0x6F0;
	_ =	swait.ge [sflag:s7], $0x80  }
0x1b: {  	[sflag:s7] =	ssyncset.done $0x0  }
0x1c: {  	[sflag:s7] =	ssyncadd.s32 $0xFFFFFF80  }
0x1d: {  	[tilespmem:s8], [sflag:$0x1] =	stream.indirect.gather [hbm4b:s3+s8], $0x80, s2, s8, $0xb8;
	[tilespmem:$0x4080] =	vst v63  }
0x1e: {  	_ =	swait.ge [sflag:s9], $0x4000  }
.Ltmp0:
0x1f: {  	[sflag:s9] =	ssyncset.done $0x0;
	(pc) =	sbr.rel @p0 .LBB2_2-.Ltmp0, $4  }
0x20: {  	[sflag:s9] =	ssyncadd.s32 $0xFFFFC000  }
0x21: {  	[hbm4b:s11+s2] =	stream.linear.scatter [tilespmem:s8], [sflag:$0x2], $0x4000, $0x38;
	[tilespmem:$0x4080] =	vst v63  }
0x22: {  	_ =	swait.ge [sflag:s7], $0x4000  }
0x23: {  	s13 =	smov.u32 s15;
	s11 =	sadd.s32 $0x800, s11;
	[sflag:s7] =	ssyncset.done $0x0  }
0x24: {  	s12 =	sadd.s32 s12, s6;
	[sflag:s7] =	ssyncadd.s32 $0xFFFFC000  }
0x25: {  	[tilespmem:s2], [sflag:$0x2] =	stream.linear.gather [hbm4b:s12+s2], $0x80, $0x38;
	[tilespmem:$0x4080] =	vst v63  }
0x26: {  	_ =	swait.ge [sflag:s7], $0x80  }
0x27: {  	[sflag:s7] =	ssyncset.done $0x0  }
0x28: {  	[sflag:s7] =	ssyncadd.s32 $0xFFFFFF80  }
0x29: {  	[tilespmem:s8], [sflag:$0x1] =	stream.indirect.gather [hbm4b:s3+s8], $0x80, s2, s8, $0xb8;
	[tilespmem:$0x4080] =	vst v63  }
0x2a: {  	s10 =	sadd.s32 $0x1, s10;
	_ =	swait.ge [sflag:s9], $0x4000  }
0x2b: {  	p0 =	sne.s32 s10, s4;
	[sflag:s9] =	ssyncset.done $0x0  }
.Ltmp1:
0x2c: {  	[sflag:s9] =	ssyncadd.s32 $0xFFFFC000;
	(pc) =	sbr.rel @p0 .LBB2_1-.Ltmp1, $4  }
0x2d: {  	[hbm4b:s11+s2] =	stream.linear.scatter [tilespmem:s8], [sflag:$0x2], $0x4000, $0x38;
	[tilespmem:$0x4080] =	vst v63  }
0x2e: {  	_ =	swait.ge [sflag:s7], $0x4000  }
0x2f: {  	[sflag:s7] =	ssyncset.done $0x0  }
0x30: {  	[sflag:s7] =	ssyncadd.s32 $0xFFFFC000  }
0x31: {  	_ =	sfence.sel $0x180000  }
0x32: {  	[bflag:$0x0] =	sbarrier.arrive $0xFFFF  }
0x33: {  	p0 =	sne.s32 s1, $0x0;
	_ =	strace $0x90000047  }
0x34: {  	s0 =	sadd.s32 @!p0 $0x100000, s0;
	[bflag:$0x2] =	sbarrier.arrive $0xFFFF  }
0x35: {  	[sflag:s0] =	ssyncadd.tile.s32 @!p0 $0x1;
	_ =	shalt  }
.Lfunc_end2:
_tile_overlayer_lowered:
.L_overlay_start_2:
0x36: {  	(tag) =	ssettag $0x2  }
0x37: {  	s0 =	rddreg [dreg:$0x0];
	s2 =	stileid.u32  }
0x38: {  	s1 =	rddreg [dreg:$0x1];
	p0 =	sne.s32 s2, $0x0  }
0x39: {  	s3 =	rddreg [dreg:$0x2];
	[bflag:$0x3] =	sbarrier.arrive $0xFFFF;
	s2 =	simm.s32 @!p0 $0x1C02  }
0x3a: {  	[timem:s3], [sflag:s2] =	dma.local @!p0 [hbm:s0], s1  }
0x3b: {  	s0 =	simm.s32 @!p0 $0x2  }
0x3c: {  	_ =	swait.ge @!p0 [sflag:s0], s1  }
0x3d: {  	s1 =	ssub.s32 @!p0 $0x0, s1;
	[sflag:s0] =	ssyncset.done @!p0 $0x0  }
0x3e: {  	[sflag:s0] =	ssyncadd.s32 @!p0 s1  }
0x3f: {  	[bflag:$0x3] =	sbarrier.arrive $0xFFFF  }
0x40: {  	_ =	shalt  }

// kernel: kernel.13.cloned.1.call-start
scs
__scs_entry_jumppad:
0x0: {  	(pc) =	sbr.rel $0x88, $3  }
0x1: {  	(tag) =	ssettag $0x0;
	lr =	simm.s32 $0x1  }
0x2: {  	[smem:$0x3F93] =	sst lr;
	_ =	strace $0xD0000000  }
0x3: {  	_ = 	snop  }
0x4: {  	_ = 	snop  }
0x5: {  	_ = 	snop  }
0x6: {  	_ = 	snop  }
0x7: {  	_ = 	snop  }
__scs_overlays_trampoline_lowered:
0x8: {  	[smem:$0x3FA2] =	sst s0  }
0x9: {  	[smem:$0x3FA3] =	sst s1  }
0xa: {  	[smem:$0x3FA4] =	sst s2  }
0xb: {  	[smem:$0x3FA5] =	sst s3  }
0xc: {  	[smem:$0x3FA6] =	sst s4  }
0xd: {  	[smem:$0x3FA7] =	sst s5  }
0xe: {  	[smem:$0x3FA8] =	sst s6  }
0xf: {  	[smem:$0x3FA9] =	sst s7  }
0x10: {  	[smem:$0x3FAA] =	sst s8  }
0x11: {  	[smem:$0x3FAB] =	sst s9;
	s0 =	simm.s32 @!p0 $0x0  }
0x12: {  	s1 =	sld [smem:$0x3F91];
	s0 =	simm.s32 @p0 $0x1  }
0x13: {  	[smem:$0x3FAC] =	sst s0;
	s0 =	simm.s32 @!p1 $0x0  }
0x14: {  	s2 =	sld [smem:$0x3F90];
	s0 =	simm.s32 @p1 $0x1  }
0x15: {  	[smem:$0x3FAD] =	sst s0;
	s0 =	simm.s32 @!p2 $0x0  }
0x16: {  	s3 =	sld [smem:$0x3FDB];
	s0 =	simm.s32 @p2 $0x1  }
0x17: {  	s4 =	simm.s32 $0x1BF5;
	[smem:$0x3FAF] =	sst s0  }
0x18: {  	s0 =	sld [smem:$0x3F92];
	_ =	swait.ge [sflag:s4], $0x0  }
0x19: {  	s7 =	sld [smem:$0x3F93]  }
0x1a: {  	s8 =	sadd.s32 $0xFFFFE003, lr  }
0x1b: {  	s9 =	sadd.s32 $0xFFFFFEF7, lr;
	s5 =	simm.s32 $0xFFFFFFFF;
	p2 =	slt.u32 s8, $0xFFFFF086  }
0x1c: {  	p1 =	slt.u32 s9, $0xF7A;
	s5 =	simm.s32 @!p2 $0x0  }
0x1d: {  	s5 =	simm.s32 @p1 $0x1;
	p0 =	seq.s32 s7, s2  }
0x1e: {  	s7 =	smul.u32 @!p0 $0xF7A, s2;
	p2 =	seq.s32 @!p0 s5, $0x0  }
0x1f: {  	s9 =	smul.u32 $0xF7A, s1;
	s8 =	simm.s32 @!p0 $0x1BF5;
	p2 =	por !p2, p0  }
0x20: {  	[sflag:s8] =	ssyncset.s32 @!p0 $0xFFFFF086;
	s6 =	sadd.s32 @!p0 s3, s7;
	s7 =	simm.s32 @!p0 $0x108  }
0x21: {  	s3 =	sadd.s32 s3, s9;
	s6 =	sadd.s32 @!p0 $0x88, s6;
	s7 =	simm.s32 @p2 $0x1082  }
0x22: {  	[simem:s7], [sflag:s8] =	dma.local @!p0 [hbm:s6], $0xF7A  }
0x23: {  	s9 =	sor.u32 $0xD0000000, s2;
	s6 =	simm.s32 $0x108;
	_ =	swait.ge @!p0 [sflag:s8], $0x0  }
0x24: {  	s3 =	sadd.s32 $0x88, s3;
	s6 =	simm.s32 @!p1 $0x1082;
	[sflag:s4] =	ssyncset.s32 $0xFFFFF086  }
0x25: {  	[simem:s6], [sflag:s4] =	dma.local [hbm:s3], $0xF7A  }
0x26: {  	[smem:$0x3F93] =	sst s1;
	(tag) =	ssettag s2;
	_ =	strace s9  }
0x27: {  	s1 =	sld [smem:$0x3FA3]  }
0x28: {  	s2 =	sld [smem:$0x3FA4]  }
0x29: {  	s4 =	sld [smem:$0x3FA6]  }
0x2a: {  	p0 =	seq.s32 s5, $0x0;
	s5 =	sld [smem:$0x3FA7]  }
0x2b: {  	s6 =	sld [smem:$0x3FA8]  }
0x2c: {  	s7 =	sld [smem:$0x3FA9]  }
0x2d: {  	s3 =	simm.s32 $0x108;
	s8 =	sld [smem:$0x3FAA]  }
0x2e: {  	s3 =	simm.s32 @!p0 $0x1082;
	s9 =	sld [smem:$0x3FAB]  }
0x2f: {  	lr =	sadd.s32 s0, s3;
	s0 =	sld [smem:$0x3FA2]  }
0x30: {  	s3 =	sld [smem:$0x3FA5]  }
0x31: {  	[smem:$0x3FAE] =	sst s10  }
0x32: {  	s10 =	sld [smem:$0x3FAC];
	_ =	sdelay $0x3  }
0x33: {  	p0 =	seq.s32 s10, $0x1;
	s10 =	sld [smem:$0x3FAE];
	_ =	sdelay $0x3  }
0x34: {  	[smem:$0x3FAE] =	sst s10  }
0x35: {  	s10 =	sld [smem:$0x3FAD];
	_ =	sdelay $0x3  }
0x36: {  	p1 =	seq.s32 s10, $0x1;
	s10 =	sld [smem:$0x3FAE];
	_ =	sdelay $0x3  }
0x37: {  	[smem:$0x3FAE] =	sst s10  }
0x38: {  	s10 =	sld [smem:$0x3FAF]  }
0x39: {  	_ = 	snop;
	(pc) =	sbr.ind lr, $3  }
0x3a: {  	_ = 	snop  }
0x3b: {  	_ = 	snop  }
0x3c: {  	p2 =	seq.s32 s10, $0x1;
	s10 =	sld [smem:$0x3FAE]  }
0x3d: {  	_ =	shalt  }
0x3e: {  	_ =	shalt  }
0x3f: {  	_ =	shalt  }
0x40: {  	_ =	shalt  }
0x41: {  	_ =	shalt  }
0x42: {  	_ =	shalt  }
0x43: {  	_ =	shalt  }
0x44: {  	_ =	shalt  }
0x45: {  	_ =	shalt  }
0x46: {  	_ =	shalt  }
0x47: {  	_ =	shalt  }
0x48: {  	_ =	shalt  }
0x49: {  	_ =	shalt  }
0x4a: {  	_ =	shalt  }
0x4b: {  	_ =	shalt  }
0x4c: {  	_ =	shalt  }
0x4d: {  	_ =	shalt  }
0x4e: {  	_ =	shalt  }
0x4f: {  	_ =	shalt  }
0x50: {  	_ =	shalt  }
0x51: {  	_ =	shalt  }
0x52: {  	_ =	shalt  }
0x53: {  	_ =	shalt  }
0x54: {  	_ =	shalt  }
0x55: {  	_ =	shalt  }
0x56: {  	_ =	shalt  }
0x57: {  	_ =	shalt  }
0x58: {  	_ =	shalt  }
0x59: {  	_ =	shalt  }
0x5a: {  	_ =	shalt  }
0x5b: {  	_ =	shalt  }
0x5c: {  	_ =	shalt  }
0x5d: {  	_ =	shalt  }
0x5e: {  	_ =	shalt  }
0x5f: {  	_ =	shalt  }
0x60: {  	_ =	shalt  }
0x61: {  	_ =	shalt  }
0x62: {  	_ =	shalt  }
0x63: {  	_ =	shalt  }
0x64: {  	_ =	shalt  }
0x65: {  	_ =	shalt  }
0x66: {  	_ =	shalt  }
0x67: {  	_ =	shalt  }
0x68: {  	_ =	shalt  }
0x69: {  	_ =	shalt  }
0x6a: {  	_ =	shalt  }
0x6b: {  	_ =	shalt  }
0x6c: {  	_ =	shalt  }
0x6d: {  	_ =	shalt  }
0x6e: {  	_ =	shalt  }
0x6f: {  	_ =	shalt  }
0x70: {  	_ =	shalt  }
0x71: {  	_ =	shalt  }
0x72: {  	_ =	shalt  }
0x73: {  	_ =	shalt  }
0x74: {  	_ =	shalt  }
0x75: {  	_ =	shalt  }
0x76: {  	_ =	shalt  }
0x77: {  	_ =	shalt  }
0x78: {  	_ =	shalt  }
0x79: {  	_ =	shalt  }
0x7a: {  	_ =	shalt  }
0x7b: {  	_ =	shalt  }
0x7c: {  	_ =	shalt  }
0x7d: {  	_ =	shalt  }
0x7e: {  	_ =	shalt  }
0x7f: {  	_ =	shalt  }
0x80: {  	_ =	shalt  }
0x81: {  	_ =	shalt  }
0x82: {  	_ =	shalt  }
0x83: {  	_ =	shalt  }
0x84: {  	_ =	shalt  }
0x85: {  	_ =	shalt  }
0x86: {  	_ =	shalt  }
0x87: {  	_ =	shalt  }
.Lfunc_end0:
.L_simem_size_0:
called_computation.1_lowered:
.L_overlay_start_0:
0x88: {  	s2 =	sld [smem:$0x3FD9]  }
0x89: {  	s3 =	sld [smem:$0x3FFE];
	_ =	sdelay $0x1  }
0x8a: {  	s1 =	srdreg.scid  }
0x8b: {  	s0 =	sand.u32 $0x1, s1  }
0x8c: {  	s17 =	sshll.u32 s0, $0xA;
	s2 =	sadd.s32 s3, s2  }
0x8d: {  	s2 =	sadd.s32 s2, s17  }
0x8e: {  	[smem:$0x3FBA] =	sst s2  }
0x8f: {  	_ = 	snop  }
0x90: {  	(tm) =	ssettm $0x1  }
0x91: {  	s18 =	sld [smem:$0x3FFB];
	_ =	sdelay $0x3  }
0x92: {  	_ =	strace s18  }
0x93: {  	s2 =	sld [smem:$0x3FFC];
	_ =	sdelay $0x3  }
0x94: {  	_ =	strace s2  }
0x95: {  	s2 =	sld [smem:$0x3FFD];
	_ =	sdelay $0x3  }
0x96: {  	_ =	strace s2  }
0x97: {  	_ =	strace $0x8FFFFFFF  }
0x98: {  	s19 =	sld [smem:$0x3FDB];
	_ =	sdelay $0x1  }
0x99: {  	s20 =	simm.s32 $_scs_section_size  }
0x9a: {  	s4 =	simm.s32 $_size__tile_overlayer_lowered;
	s5 =	simm.s32 $_tile_overlayer_lowered  }
0x9b: {  	s6 =	simm.s32 $0x1BFF;
	s21 =	sshll.u32 s5, $0x1;
	s3 =	sadd.s32 s20, s19  }
0x9c: {  	s22 =	simm.s32 $0x0;
	s4 =	sshll.u32 s4, $0x1;
	s5 =	sadd.s32 s21, s3  }
0x9d: {  	[timem:s22], [sflag:s6] =	dma.local [hbm:s5], s4  }
0x9e: {  	_ =	swait.ge [sflag:s6], s4  }
0x9f: {  	s4 =	ssub.s32 $0x0, s4;
	[sflag:s6] =	ssyncset.done $0x0  }
0xa0: {  	[sflag:s6] =	ssyncadd.s32 s4;
	_ =	sdelay $0x1  }
0xa1: {  	s23 =	simm.s32 $0x1B8B  }
0xa2: {  	_ =	swait.ge [sflag:s23], $0x1  }
0xa3: {  	[sflag:s23] =	ssyncset.done $0x0  }
0xa4: {  	[sflag:s23] =	ssyncadd.s32 $0xFFFFFFFF  }
0xa5: {  	s4 =	sld [smem:$0x0]  }
0xa6: {  	s5 =	sand.u32 $0xFFFFFFFE, s1  }
0xa7: {  	p0 =	sne.s32 s1, s5  }
0xa8: {  	s5 =	sshll.u32 @p0 s5, $0xE  }
0xa9: {  	s5 =	sadd.s32 @p0 $0x11B8D, s5;
	s6 =	sshll.u32 @p0 s4, $0x11  }
0xaa: {  	s5 =	sor.u32 @p0 s6, s5  }
0xab: {  	[sflag:s5] =	ssyncadd.remote.s32 @p0 $0x1;
	_ =	sdelay $0x1  }
0xac: {  	s5 =	simm.s32 @p0 $0x1B8D  }
0xad: {  	_ =	swait.eq @p0 [sflag:s5], $0x1  }
0xae: {  	[sflag:s5] =	ssyncadd.s32 @p0 $0xFFFFFFFF  }
0xaf: {  	s6 =	sshll.u32 @!p0 s1, $0xE  }
0xb0: {  	s6 =	sor.u32 @!p0 $0x4000, s6;
	s5 =	simm.s32 @!p0 $0x1B8D  }
0xb1: {  	s4 =	sshll.u32 @!p0 s4, $0x11;
	s6 =	sadd.s32 @!p0 $0x11B8D, s6;
	_ =	swait.eq @!p0 [sflag:s5], $0x1  }
0xb2: {  	s4 =	sor.u32 @!p0 s4, s6;
	[sflag:s5] =	ssyncadd.s32 @!p0 $0xFFFFFFFF  }
0xb3: {  	s25 =	simm.s32 $0x1B8E;
	s24 =	sld [smem:$0x3FFE];
	[sflag:s4] =	ssyncadd.remote.s32 @!p0 $0x1  }
0xb4: {  	s26 =	simm.s32 $execute0_lowered;
	[smem:$0x3FD2] =	sst s25  }
0xb5: {  	s5 =	sshll.u32 s26, $0x1;
	_ =	strace $0x80000049;
	[dreg:$0x1] =	wrdreg $0xFFFFFFFF  }
0xb6: {  	s28 =	simm.s32 $_size_execute0_lowered;
	s3 =	sadd.s32 s3, s5;
	[dreg:$0x0] =	wrdreg $0x0  }
0xb7: {  	s5 =	sshll.u32 s28, $0x1;
	[dreg:$0x2] =	wrdreg s3  }
0xb8: {  	[dreg:$0x3] =	wrdreg s5  }
0xb9: {  	[dreg:$0x4] =	wrdreg $0xC0  }
0xba: {  	_ =	task [dreg:s22], $0x5FFFF  }
0xbb: {  	[dreg:$0x1] =	wrdreg $0xFFFFFFFF  }
0xbc: {  	[dreg:$0x0] =	wrdreg $0x60  }
0xbd: {  	[dreg:$0x2] =	wrdreg s24  }
0xbe: {  	[dreg:$0x3] =	wrdreg $0x41000  }
0xbf: {  	[dreg:$0x4] =	wrdreg $0x9  }
0xc0: {  	_ =	task.clear_ibuf [dreg:s22], $0x5FFFF;
	_ =	strace $0x90000049  }
0xc1: {  	s29 =	simm.s32 $0x9;
	_ =	strace $0x8000004B  }
0xc2: {  	_ =	swait.ge [sflag:s29], $0x1  }
0xc3: {  	[sflag:s29] =	ssyncadd.s32 $0xFFFFFFFF  }
0xc4: {  	_ =	strace $0x9000004B  }
0xc5: {  	_ =	sfence  }
0xc6: {  	s30 =	sld [smem:$0x0];
	_ =	sdelay $0x2  }
0xc7: {  	s31 =	sshll.u32 s1, $0xD;
	s1 =	sshrl.u32 s1, $0x2  }
0xc8: {  	s4 =	sand.u32 $0x4000, s31;
	s1 =	sadd.s32 s1, s30  }
0xc9: {  	s0 =	sor.u32 s4, s0;
	s1 =	sshll.u32 s1, $0x11  }
0xca: {  	s0 =	sor.u32 s1, s0  }
0xcb: {  	s0 =	sadd.s32 $0x8F2B, s0  }
0xcc: {  	[sflag:s0] =	ssyncadd.remote.s32 $0x1  }
0xcd: {  	_ =	sfence.sel $0xFFFF  }
0xce: {  	[dreg:$0x0] =	wrdreg $0xFFFFFFFF;
	(pc) =	sbr.abs _section_cstart, $3  }
0xcf: {  	[dreg:$0x1] =	wrdreg $0xFFFFFFFF  }
0xd0: {  	_ =	task.clear_ibuf [dreg:s22], $0x2FFFF;
	_ =	strace $0x9FFFFFFF  }
0xd1: {  	(tm) =	ssettm $0x7FFFFFFF  }
tec
execute0_lowered:
.L_overlay_start_1:
0x0: {  	(tag) =	ssettag $0x1  }
0x1: {  	s5 =	rddreg [dreg:$0x0];
	s0 =	srdreg.scid  }
0x2: {  	s2 =	rddreg [dreg:$0x1];
	s1 =	stileid.u32  }
0x3: {  	s3 =	simm.s32 $0x0;
	s13 =	simm.s32 $0x80;
	s8 =	smul.u32 $0x1C00, s1  }
0x4: {  	s14 =	simm.s32 $0x100;
	s15 =	simm.s32 $0x1;
	s26 =	smul.u32 $0x7000, s1  }
0x5: {  	s6 =	sand.u32 $0x1, s0;
	s0 =	rddreg [dreg:$0x2];
	s30 =	smul.u32 $0x1880, s1  }
0x6: {  	s16 =	simm.s32 $0x0;
	[smem:$0x7FF] =	sst s3;
	s7 =	smul.u32 $0x18800, s6  }
0x7: {  	s4 =	sadd.s32 $0x71FE00, s5;
	s31 =	sshll.u32 s1, $0x6;
	s9 =	smul.u32 $0x1C000, s6  }
0x8: {  	_ =	strace $0x8000004A;
	s6 =	ssub.s32 $0x2, s6;
	s25 =	sshrl.u32 s8, $0x3  }
0x9: {  	s28 =	sshrl.u32 s6, $0x1;
	s29 =	sshrl.u32 s26, $0x2;
	s10 =	sadd.s32 s7, s5  }
0xa: {  	s8 =	sadd.s32 s8, s9;
	s7 =	sadd.s32 s25, s5;
	s11 =	ssub.s32 s6, s28  }
0xb: {  	s6 =	sor.u32 $0x1C02, s31;
	s8 =	sshrl.u32 s8, $0x3;
	s10 =	sadd.s32 s30, s10  }
0xc: {  	s8 =	sadd.s32 s8, s5;
	s5 =	sadd.s32 $0x7E4600, s7;
	s9 =	sadd.s32 $0x751600, s10  }
0xd: {  	s12 =	sadd.s32 s29, s2;
	s10 =	sadd.s32 $0x720600, s10;
	s7 =	sadd.s32 $0x7E7E00, s8  }
0xe: {  	s8 =	smax.u32 s11, $0x1;
	s11 =	sshrl.u32 s12, $0x3;
	s12 =	simm.s32 $0x2  }
.LBB2_1:
0xf: {  	[spmem:s11], [sflag:s6] =	dma.local [hbm:s5], $0x380  }
0x10: {  	_ =	swait.ge [sflag:s12], $0x380  }
0x11: {  	[sflag:s12] =	ssyncset.done $0x0  }
0x12: {  	[sflag:s12] =	ssyncadd.s32 $0xFFFFFC80  }
0x13: {  	s17 =	sadd.s32 $0x0, s10;
	[bflag:$0x0] =	sbarrier.arrive $0xFFFF  }
0x14: {  	[tilespmem:s3], [sflag:$0x2] =	stream.linear.gather [hbm4b:s17+s3], $0x80, $0x38;
	[tilespmem:$0x5D00] =	vst v63  }
0x15: {  	_ =	swait.ge [sflag:s12], $0x80  }
0x16: {  	[sflag:s12] =	ssyncset.done $0x0  }
0x17: {  	s31 =	sadd.s32 $0x0, s9;
	[sflag:s12] =	ssyncadd.s32 $0xFFFFFF80  }
0x18: {  	[tilespmem:s13], [sflag:$0x2] =	stream.linear.gather [hbm4b:s31+s3], $0x80, $0x38;
	[tilespmem:$0x5D00] =	vst v63  }
0x19: {  	_ =	swait.ge [sflag:s12], $0x80  }
0x1a: {  	[sflag:s12] =	ssyncset.done $0x0  }
0x1b: {  	[sflag:s12] =	ssyncadd.s32 $0xFFFFFF80  }
0x1c: {  	[tilespmem:s14], [sflag:$0x1] =	stream.indirect.gather [hbm4b:s4+s13], $0x80, s3, s13, $0xb8;
	[tilespmem:$0x5D00] =	vst v63  }
0x1d: {  	_ =	swait.ge [sflag:s15], $0x4000  }
0x1e: {  	[sflag:s15] =	ssyncset.done $0x0  }
0x1f: {  	[sflag:s15] =	ssyncadd.s32 $0xFFFFC000  }
0x20: {  	[spmem:s2] =	stream.indirect.scatter.add.f32 [tilespmem:s14], [sflag:$0x2], $0x80, s13, s13, $0xb8;
	[tilespmem:$0x5D00] =	vst v63  }
0x21: {  	_ =	swait.ge [sflag:s12], $0x4000  }
0x22: {  	s18 =	simm.s32 $0x20;
	s17 =	simm.s32 $0x10;
	[sflag:s12] =	ssyncset.done $0x0  }
.LBB2_2:
0x23: {  	s19 =	sadd.s32 s17, s10  }
0x24: {  	[sflag:s12] =	ssyncadd.s32 $0xFFFFC000;
	s20 =	smov.u32 s18;
	s21 =	sadd.s32 $0x10, s18  }
0x25: {  	[tilespmem:s3], [sflag:$0x2] =	stream.linear.gather [hbm4b:s19+s3], $0x80, $0x38;
	[tilespmem:$0x5D00] =	vst v63  }
0x26: {  	p0 =	sne.s32 s18, $0x1870;
	_ =	swait.ge [sflag:s12], $0x80  }
0x27: {  	[sflag:s12] =	ssyncset.done $0x0  }
0x28: {  	s18 =	sadd.s32 s17, s9;
	s17 =	smov.u32 s20;
	[sflag:s12] =	ssyncadd.s32 $0xFFFFFF80  }
0x29: {  	[tilespmem:s13], [sflag:$0x2] =	stream.linear.gather [hbm4b:s18+s3], $0x80, $0x38;
	[tilespmem:$0x5D00] =	vst v63  }
0x2a: {  	_ =	swait.ge [sflag:s12], $0x80  }
0x2b: {  	[sflag:s12] =	ssyncset.done $0x0  }
0x2c: {  	[sflag:s12] =	ssyncadd.s32 $0xFFFFFF80  }
0x2d: {  	[tilespmem:s14], [sflag:$0x1] =	stream.indirect.gather [hbm4b:s4+s13], $0x80, s3, s13, $0xb8;
	[tilespmem:$0x5D00] =	vst v63  }
0x2e: {  	_ =	swait.ge [sflag:s15], $0x4000  }
.Ltmp0:
0x2f: {  	[sflag:s15] =	ssyncset.done $0x0;
	(pc) =	sbr.rel @p0 .LBB2_2-.Ltmp0, $4  }
0x30: {  	[sflag:s15] =	ssyncadd.s32 $0xFFFFC000  }
0x31: {  	[spmem:s2] =	stream.indirect.scatter.add.f32 [tilespmem:s14], [sflag:$0x2], $0x80, s13, s13, $0xb8;
	[tilespmem:$0x5D00] =	vst v63  }
0x32: {  	_ =	swait.ge [sflag:s12], $0x4000  }
0x33: {  	s18 =	smov.u32 s21;
	[sflag:s12] =	ssyncset.done $0x0  }
0x34: {  	s18 =	sadd.s32 s17, s10;
	[sflag:s12] =	ssyncadd.s32 $0xFFFFC000  }
0x35: {  	[tilespmem:s3], [sflag:$0x2] =	stream.linear.gather [hbm4b:s18+s3], $0x80, $0x38;
	[tilespmem:$0x5D00] =	vst v63  }
0x36: {  	_ =	swait.ge [sflag:s12], $0x80  }
0x37: {  	[sflag:s12] =	ssyncset.done $0x0  }
0x38: {  	s31 =	sadd.s32 s17, s9;
	[sflag:s12] =	ssyncadd.s32 $0xFFFFFF80  }
0x39: {  	[tilespmem:s13], [sflag:$0x2] =	stream.linear.gather [hbm4b:s31+s3], $0x80, $0x38;
	[tilespmem:$0x5D00] =	vst v63  }
0x3a: {  	_ =	swait.ge [sflag:s12], $0x80  }
0x3b: {  	[sflag:s12] =	ssyncset.done $0x0  }
0x3c: {  	[sflag:s12] =	ssyncadd.s32 $0xFFFFFF80  }
0x3d: {  	[tilespmem:s14], [sflag:$0x1] =	stream.indirect.gather [hbm4b:s4+s13], $0x80, s3, s13, $0xb8;
	[tilespmem:$0x5D00] =	vst v63  }
0x3e: {  	_ =	swait.ge [sflag:s15], $0x4000  }
0x3f: {  	[sflag:s15] =	ssyncset.done $0x0  }
0x40: {  	[sflag:s15] =	ssyncadd.s32 $0xFFFFC000  }
0x41: {  	[spmem:s2] =	stream.indirect.scatter.add.f32 [tilespmem:s14], [sflag:$0x2], $0x80, s13, s13, $0xb8;
	[tilespmem:$0x5D00] =	vst v63  }
0x42: {  	_ =	swait.ge [sflag:s12], $0x4000  }
0x43: {  	s16 =	sadd.s32 $0x1, s16;
	[sflag:s12] =	ssyncset.done $0x0  }
0x44: {  	p0 =	sne.s32 s16, s8;
	[sflag:s12] =	ssyncadd.s32 $0xFFFFC000  }
.Ltmp1:
0x45: {  	[bflag:$0x0] =	sbarrier.arrive $0xFFFF;
	(pc) =	sbr.rel @p0 .LBB2_1-.Ltmp1, $4  }
0x46: {  	[hbm:s7], [sflag:s6] =	dma.local [spmem:s11], $0x380  }
0x47: {  	_ =	swait.ge [sflag:s12], $0x380  }
0x48: {  	[sflag:s12] =	ssyncset.done $0x0  }
0x49: {  	[sflag:s12] =	ssyncadd.s32 $0xFFFFFC80  }
0x4a: {  	_ =	sfence.sel $0x180000  }
0x4b: {  	[bflag:$0x0] =	sbarrier.arrive $0xFFFF  }
0x4c: {  	p0 =	sne.s32 s1, $0x0;
	_ =	strace $0x9000004A  }
0x4d: {  	s0 =	sadd.s32 @!p0 $0x100000, s0;
	[bflag:$0x2] =	sbarrier.arrive $0xFFFF  }
0x4e: {  	[sflag:s0] =	ssyncadd.tile.s32 @!p0 $0x1;
	_ =	shalt  }
.Lfunc_end2:
_tile_overlayer_lowered:
.L_overlay_start_2:
0x4f: {  	(tag) =	ssettag $0x2  }
0x50: {  	s0 =	rddreg [dreg:$0x0];
	s2 =	stileid.u32  }
0x51: {  	s1 =	rddreg [dreg:$0x1];
	p0 =	sne.s32 s2, $0x0  }
0x52: {  	s3 =	rddreg [dreg:$0x2];
	[bflag:$0x3] =	sbarrier.arrive $0xFFFF;
	s2 =	simm.s32 @!p0 $0x1C02  }
0x53: {  	[timem:s3], [sflag:s2] =	dma.local @!p0 [hbm:s0], s1  }
0x54: {  	s0 =	simm.s32 @!p0 $0x2  }
0x55: {  	_ =	swait.ge @!p0 [sflag:s0], s1  }
0x56: {  	s1 =	ssub.s32 @!p0 $0x0, s1;
	[sflag:s0] =	ssyncset.done @!p0 $0x0  }
0x57: {  	[sflag:s0] =	ssyncadd.s32 @!p0 s1  }
0x58: {  	[bflag:$0x3] =	sbarrier.arrive $0xFFFF  }
0x59: {  	_ =	shalt  }

// kernel: kernel.16.cloned.1.call-start
scs
__scs_entry_jumppad:
0x0: {  	(pc) =	sbr.rel $0x88, $3  }
0x1: {  	(tag) =	ssettag $0x0;
	lr =	simm.s32 $0x1  }
0x2: {  	[smem:$0x3F93] =	sst lr;
	_ =	strace $0xD0000000  }
0x3: {  	_ = 	snop  }
0x4: {  	_ = 	snop  }
0x5: {  	_ = 	snop  }
0x6: {  	_ = 	snop  }
0x7: {  	_ = 	snop  }
__scs_overlays_trampoline_lowered:
0x8: {  	[smem:$0x3FA2] =	sst s0  }
0x9: {  	[smem:$0x3FA3] =	sst s1  }
0xa: {  	[smem:$0x3FA4] =	sst s2  }
0xb: {  	[smem:$0x3FA5] =	sst s3  }
0xc: {  	[smem:$0x3FA6] =	sst s4  }
0xd: {  	[smem:$0x3FA7] =	sst s5  }
0xe: {  	[smem:$0x3FA8] =	sst s6  }
0xf: {  	[smem:$0x3FA9] =	sst s7  }
0x10: {  	[smem:$0x3FAA] =	sst s8  }
0x11: {  	[smem:$0x3FAB] =	sst s9;
	s0 =	simm.s32 @!p0 $0x0  }
0x12: {  	s1 =	sld [smem:$0x3F91];
	s0 =	simm.s32 @p0 $0x1  }
0x13: {  	[smem:$0x3FAC] =	sst s0;
	s0 =	simm.s32 @!p1 $0x0  }
0x14: {  	s2 =	sld [smem:$0x3F90];
	s0 =	simm.s32 @p1 $0x1  }
0x15: {  	[smem:$0x3FAD] =	sst s0;
	s0 =	simm.s32 @!p2 $0x0  }
0x16: {  	s3 =	sld [smem:$0x3FDB];
	s0 =	simm.s32 @p2 $0x1  }
0x17: {  	s4 =	simm.s32 $0x1BF5;
	[smem:$0x3FAF] =	sst s0  }
0x18: {  	s0 =	sld [smem:$0x3F92];
	_ =	swait.ge [sflag:s4], $0x0  }
0x19: {  	s7 =	sld [smem:$0x3F93]  }
0x1a: {  	s8 =	sadd.s32 $0xFFFFE003, lr  }
0x1b: {  	s9 =	sadd.s32 $0xFFFFFEF7, lr;
	s5 =	simm.s32 $0xFFFFFFFF;
	p2 =	slt.u32 s8, $0xFFFFF086  }
0x1c: {  	p1 =	slt.u32 s9, $0xF7A;
	s5 =	simm.s32 @!p2 $0x0  }
0x1d: {  	s5 =	simm.s32 @p1 $0x1;
	p0 =	seq.s32 s7, s2  }
0x1e: {  	s7 =	smul.u32 @!p0 $0xF7A, s2;
	p2 =	seq.s32 @!p0 s5, $0x0  }
0x1f: {  	s9 =	smul.u32 $0xF7A, s1;
	s8 =	simm.s32 @!p0 $0x1BF5;
	p2 =	por !p2, p0  }
0x20: {  	[sflag:s8] =	ssyncset.s32 @!p0 $0xFFFFF086;
	s6 =	sadd.s32 @!p0 s3, s7;
	s7 =	simm.s32 @!p0 $0x108  }
0x21: {  	s3 =	sadd.s32 s3, s9;
	s6 =	sadd.s32 @!p0 $0x88, s6;
	s7 =	simm.s32 @p2 $0x1082  }
0x22: {  	[simem:s7], [sflag:s8] =	dma.local @!p0 [hbm:s6], $0xF7A  }
0x23: {  	s9 =	sor.u32 $0xD0000000, s2;
	s6 =	simm.s32 $0x108;
	_ =	swait.ge @!p0 [sflag:s8], $0x0  }
0x24: {  	s3 =	sadd.s32 $0x88, s3;
	s6 =	simm.s32 @!p1 $0x1082;
	[sflag:s4] =	ssyncset.s32 $0xFFFFF086  }
0x25: {  	[simem:s6], [sflag:s4] =	dma.local [hbm:s3], $0xF7A  }
0x26: {  	[smem:$0x3F93] =	sst s1;
	(tag) =	ssettag s2;
	_ =	strace s9  }
0x27: {  	s1 =	sld [smem:$0x3FA3]  }
0x28: {  	s2 =	sld [smem:$0x3FA4]  }
0x29: {  	s4 =	sld [smem:$0x3FA6]  }
0x2a: {  	p0 =	seq.s32 s5, $0x0;
	s5 =	sld [smem:$0x3FA7]  }
0x2b: {  	s6 =	sld [smem:$0x3FA8]  }
0x2c: {  	s7 =	sld [smem:$0x3FA9]  }
0x2d: {  	s3 =	simm.s32 $0x108;
	s8 =	sld [smem:$0x3FAA]  }
0x2e: {  	s3 =	simm.s32 @!p0 $0x1082;
	s9 =	sld [smem:$0x3FAB]  }
0x2f: {  	lr =	sadd.s32 s0, s3;
	s0 =	sld [smem:$0x3FA2]  }
0x30: {  	s3 =	sld [smem:$0x3FA5]  }
0x31: {  	[smem:$0x3FAE] =	sst s10  }
0x32: {  	s10 =	sld [smem:$0x3FAC];
	_ =	sdelay $0x3  }
0x33: {  	p0 =	seq.s32 s10, $0x1;
	s10 =	sld [smem:$0x3FAE];
	_ =	sdelay $0x3  }
0x34: {  	[smem:$0x3FAE] =	sst s10  }
0x35: {  	s10 =	sld [smem:$0x3FAD];
	_ =	sdelay $0x3  }
0x36: {  	p1 =	seq.s32 s10, $0x1;
	s10 =	sld [smem:$0x3FAE];
	_ =	sdelay $0x3  }
0x37: {  	[smem:$0x3FAE] =	sst s10  }
0x38: {  	s10 =	sld [smem:$0x3FAF]  }
0x39: {  	_ = 	snop;
	(pc) =	sbr.ind lr, $3  }
0x3a: {  	_ = 	snop  }
0x3b: {  	_ = 	snop  }
0x3c: {  	p2 =	seq.s32 s10, $0x1;
	s10 =	sld [smem:$0x3FAE]  }
0x3d: {  	_ =	shalt  }
0x3e: {  	_ =	shalt  }
0x3f: {  	_ =	shalt  }
0x40: {  	_ =	shalt  }
0x41: {  	_ =	shalt  }
0x42: {  	_ =	shalt  }
0x43: {  	_ =	shalt  }
0x44: {  	_ =	shalt  }
0x45: {  	_ =	shalt  }
0x46: {  	_ =	shalt  }
0x47: {  	_ =	shalt  }
0x48: {  	_ =	shalt  }
0x49: {  	_ =	shalt  }
0x4a: {  	_ =	shalt  }
0x4b: {  	_ =	shalt  }
0x4c: {  	_ =	shalt  }
0x4d: {  	_ =	shalt  }
0x4e: {  	_ =	shalt  }
0x4f: {  	_ =	shalt  }
0x50: {  	_ =	shalt  }
0x51: {  	_ =	shalt  }
0x52: {  	_ =	shalt  }
0x53: {  	_ =	shalt  }
0x54: {  	_ =	shalt  }
0x55: {  	_ =	shalt  }
0x56: {  	_ =	shalt  }
0x57: {  	_ =	shalt  }
0x58: {  	_ =	shalt  }
0x59: {  	_ =	shalt  }
0x5a: {  	_ =	shalt  }
0x5b: {  	_ =	shalt  }
0x5c: {  	_ =	shalt  }
0x5d: {  	_ =	shalt  }
0x5e: {  	_ =	shalt  }
0x5f: {  	_ =	shalt  }
0x60: {  	_ =	shalt  }
0x61: {  	_ =	shalt  }
0x62: {  	_ =	shalt  }
0x63: {  	_ =	shalt  }
0x64: {  	_ =	shalt  }
0x65: {  	_ =	shalt  }
0x66: {  	_ =	shalt  }
0x67: {  	_ =	shalt  }
0x68: {  	_ =	shalt  }
0x69: {  	_ =	shalt  }
0x6a: {  	_ =	shalt  }
0x6b: {  	_ =	shalt  }
0x6c: {  	_ =	shalt  }
0x6d: {  	_ =	shalt  }
0x6e: {  	_ =	shalt  }
0x6f: {  	_ =	shalt  }
0x70: {  	_ =	shalt  }
0x71: {  	_ =	shalt  }
0x72: {  	_ =	shalt  }
0x73: {  	_ =	shalt  }
0x74: {  	_ =	shalt  }
0x75: {  	_ =	shalt  }
0x76: {  	_ =	shalt  }
0x77: {  	_ =	shalt  }
0x78: {  	_ =	shalt  }
0x79: {  	_ =	shalt  }
0x7a: {  	_ =	shalt  }
0x7b: {  	_ =	shalt  }
0x7c: {  	_ =	shalt  }
0x7d: {  	_ =	shalt  }
0x7e: {  	_ =	shalt  }
0x7f: {  	_ =	shalt  }
0x80: {  	_ =	shalt  }
0x81: {  	_ =	shalt  }
0x82: {  	_ =	shalt  }
0x83: {  	_ =	shalt  }
0x84: {  	_ =	shalt  }
0x85: {  	_ =	shalt  }
0x86: {  	_ =	shalt  }
0x87: {  	_ =	shalt  }
.Lfunc_end0:
.L_simem_size_0:
called_computation.2_lowered:
.L_overlay_start_0:
0x88: {  	s2 =	sld [smem:$0x3FD9]  }
0x89: {  	s3 =	sld [smem:$0x3FFE];
	_ =	sdelay $0x1  }
0x8a: {  	s1 =	srdreg.scid  }
0x8b: {  	s0 =	sand.u32 $0x1, s1  }
0x8c: {  	s17 =	sshll.u32 s0, $0xA;
	s2 =	sadd.s32 s3, s2  }
0x8d: {  	s2 =	sadd.s32 s2, s17  }
0x8e: {  	[smem:$0x3FBA] =	sst s2  }
0x8f: {  	_ = 	snop  }
0x90: {  	(tm) =	ssettm $0x1  }
0x91: {  	s18 =	sld [smem:$0x3FFB];
	_ =	sdelay $0x3  }
0x92: {  	_ =	strace s18  }
0x93: {  	s2 =	sld [smem:$0x3FFC];
	_ =	sdelay $0x3  }
0x94: {  	_ =	strace s2  }
0x95: {  	s2 =	sld [smem:$0x3FFD];
	_ =	sdelay $0x3  }
0x96: {  	_ =	strace s2  }
0x97: {  	_ =	strace $0x8FFFFFFF  }
0x98: {  	s19 =	sld [smem:$0x3FDB];
	_ =	sdelay $0x1  }
0x99: {  	s20 =	simm.s32 $_scs_section_size  }
0x9a: {  	s4 =	simm.s32 $_size__tile_overlayer_lowered;
	s5 =	simm.s32 $_tile_overlayer_lowered  }
0x9b: {  	s6 =	simm.s32 $0x1BFF;
	s21 =	sshll.u32 s5, $0x1;
	s3 =	sadd.s32 s20, s19  }
0x9c: {  	s22 =	simm.s32 $0x0;
	s4 =	sshll.u32 s4, $0x1;
	s5 =	sadd.s32 s21, s3  }
0x9d: {  	[timem:s22], [sflag:s6] =	dma.local [hbm:s5], s4  }
0x9e: {  	_ =	swait.ge [sflag:s6], s4  }
0x9f: {  	s4 =	ssub.s32 $0x0, s4;
	[sflag:s6] =	ssyncset.done $0x0  }
0xa0: {  	[sflag:s6] =	ssyncadd.s32 s4;
	_ =	sdelay $0x1  }
0xa1: {  	s23 =	simm.s32 $0x1B8B  }
0xa2: {  	_ =	swait.ge [sflag:s23], $0x1  }
0xa3: {  	[sflag:s23] =	ssyncset.done $0x0  }
0xa4: {  	[sflag:s23] =	ssyncadd.s32 $0xFFFFFFFF  }
0xa5: {  	s4 =	sld [smem:$0x0]  }
0xa6: {  	s5 =	sand.u32 $0xFFFFFFFE, s1  }
0xa7: {  	p0 =	sne.s32 s1, s5  }
0xa8: {  	s5 =	sshll.u32 @p0 s5, $0xE  }
0xa9: {  	s5 =	sadd.s32 @p0 $0x11B8D, s5;
	s6 =	sshll.u32 @p0 s4, $0x11  }
0xaa: {  	s5 =	sor.u32 @p0 s6, s5  }
0xab: {  	[sflag:s5] =	ssyncadd.remote.s32 @p0 $0x1;
	_ =	sdelay $0x1  }
0xac: {  	s5 =	simm.s32 @p0 $0x1B8D  }
0xad: {  	_ =	swait.eq @p0 [sflag:s5], $0x1  }
0xae: {  	[sflag:s5] =	ssyncadd.s32 @p0 $0xFFFFFFFF  }
0xaf: {  	s6 =	sshll.u32 @!p0 s1, $0xE  }
0xb0: {  	s6 =	sor.u32 @!p0 $0x4000, s6;
	s5 =	simm.s32 @!p0 $0x1B8D  }
0xb1: {  	s4 =	sshll.u32 @!p0 s4, $0x11;
	s6 =	sadd.s32 @!p0 $0x11B8D, s6;
	_ =	swait.eq @!p0 [sflag:s5], $0x1  }
0xb2: {  	s4 =	sor.u32 @!p0 s4, s6;
	[sflag:s5] =	ssyncadd.s32 @!p0 $0xFFFFFFFF  }
0xb3: {  	s25 =	simm.s32 $0x1B8E;
	s24 =	sld [smem:$0x3FFE];
	[sflag:s4] =	ssyncadd.remote.s32 @!p0 $0x1  }
0xb4: {  	s26 =	simm.s32 $execute0_lowered;
	[smem:$0x3FD2] =	sst s25  }
0xb5: {  	s5 =	sshll.u32 s26, $0x1;
	_ =	strace $0x8000004C;
	[dreg:$0x1] =	wrdreg $0xFFFFFFFF  }
0xb6: {  	s28 =	simm.s32 $_size_execute0_lowered;
	s3 =	sadd.s32 s3, s5;
	[dreg:$0x0] =	wrdreg $0x0  }
0xb7: {  	s5 =	sshll.u32 s28, $0x1;
	[dreg:$0x2] =	wrdreg s3  }
0xb8: {  	[dreg:$0x3] =	wrdreg s5  }
0xb9: {  	[dreg:$0x4] =	wrdreg $0xC0  }
0xba: {  	_ =	task [dreg:s22], $0x5FFFF  }
0xbb: {  	[dreg:$0x1] =	wrdreg $0xFFFFFFFF  }
0xbc: {  	[dreg:$0x0] =	wrdreg $0x60  }
0xbd: {  	[dreg:$0x2] =	wrdreg s24  }
0xbe: {  	[dreg:$0x3] =	wrdreg $0x41000  }
0xbf: {  	[dreg:$0x4] =	wrdreg $0xA  }
0xc0: {  	_ =	task.clear_ibuf [dreg:s22], $0x5FFFF;
	_ =	strace $0x9000004C  }
0xc1: {  	s29 =	simm.s32 $0xA;
	_ =	strace $0x8000004E  }
0xc2: {  	_ =	swait.ge [sflag:s29], $0x1  }
0xc3: {  	[sflag:s29] =	ssyncadd.s32 $0xFFFFFFFF  }
0xc4: {  	_ =	strace $0x9000004E  }
0xc5: {  	_ =	sfence  }
0xc6: {  	s30 =	sld [smem:$0x0];
	_ =	sdelay $0x2  }
0xc7: {  	s31 =	sshll.u32 s1, $0xD;
	s1 =	sshrl.u32 s1, $0x2  }
0xc8: {  	s4 =	sand.u32 $0x4000, s31;
	s1 =	sadd.s32 s1, s30  }
0xc9: {  	s0 =	sor.u32 s4, s0;
	s1 =	sshll.u32 s1, $0x11  }
0xca: {  	s0 =	sor.u32 s1, s0  }
0xcb: {  	s0 =	sadd.s32 $0x8F2B, s0  }
0xcc: {  	[sflag:s0] =	ssyncadd.remote.s32 $0x1  }
0xcd: {  	_ =	sfence.sel $0xFFFF  }
0xce: {  	[dreg:$0x0] =	wrdreg $0xFFFFFFFF;
	(pc) =	sbr.abs _section_cstart, $3  }
0xcf: {  	[dreg:$0x1] =	wrdreg $0xFFFFFFFF  }
0xd0: {  	_ =	task.clear_ibuf [dreg:s22], $0x2FFFF;
	_ =	strace $0x9FFFFFFF  }
0xd1: {  	(tm) =	ssettm $0x7FFFFFFF  }
tec
execute0_lowered:
.L_overlay_start_1:
0x0: {  	(tag) =	ssettag $0x1  }
0x1: {  	s5 =	rddreg [dreg:$0x0]  }
0x2: {  	s2 =	rddreg [dreg:$0x1]  }
0x3: {  	s0 =	rddreg [dreg:$0x2];
	s1 =	stileid.u32  }
0x4: {  	s4 =	srdreg.scid;
	s3 =	simm.s32 $0x0;
	s6 =	smul.u32 $0x3100, s1  }
0x5: {  	s14 =	simm.s32 $0x100;
	s15 =	simm.s32 $0x1;
	s9 =	smul.u32 $0x3180, s1  }
0x6: {  	s17 =	simm.s32 $0x0;
	s7 =	sand.u32 $0x1, s4;
	s26 =	smul.u32 $0x63000, s1  }
0x7: {  	[smem:$0x7FF] =	sst s3;
	s4 =	sadd.s32 $0x1FE00, s5;
	s29 =	smul.u32 $0x62000, s1  }
0x8: {  	s30 =	sshll.u32 s1, $0x6;
	s8 =	smul.u32 $0x31000, s7;
	s28 =	ssub.s32 $0x2, s7  }
0x9: {  	_ =	strace $0x8000004D;
	s10 =	sadd.s32 s6, s5;
	s7 =	sshrl.u32 s28, $0x1  }
0xa: {  	s31 =	sshrl.u32 s29, $0x2;
	s6 =	sadd.s32 s6, s8;
	s8 =	sshrl.u32 s26, $0x2  }
0xb: {  	s12 =	ssub.s32 s28, s7;
	s16 =	sadd.s32 s31, s2;
	s11 =	sadd.s32 s6, s5  }
0xc: {  	s5 =	sadd.s32 s9, s5;
	s13 =	sadd.s32 s8, s2;
	s6 =	sor.u32 $0x1C02, s30  }
0xd: {  	s8 =	smax.u32 s12, $0x1;
	s9 =	sadd.s32 $0x782600, s10;
	s12 =	simm.s32 $0x2  }
0xe: {  	s16 =	sshrl.u32 s16, $0x3;
	s5 =	sadd.s32 $0x914E00, s5;
	s7 =	sadd.s32 $0x946600, s11  }
0xf: {  	s10 =	sadd.s32 $0x8B2E00, s11;
	s11 =	sshrl.u32 s13, $0x3;
	s13 =	simm.s32 $0x80  }
.LBB2_1:
0x10: {  	[spmem:s11], [sflag:s6] =	dma.local [hbm:s5], $0x3180  }
0x11: {  	_ =	swait.ge [sflag:s12], $0x3180  }
0x12: {  	[sflag:s12] =	ssyncset.done $0x0  }
0x13: {  	[sflag:s12] =	ssyncadd.s32 $0xFFFFCE80  }
0x14: {  	s18 =	sadd.s32 $0x0, s9;
	[bflag:$0x0] =	sbarrier.arrive $0xFFFF  }
0x15: {  	[tilespmem:s3], [sflag:$0x2] =	stream.linear.gather [hbm4b:s18+s3], $0x80, $0x38;
	[tilespmem:$0x1CD00] =	vst v63  }
0x16: {  	_ =	swait.ge [sflag:s12], $0x80  }
0x17: {  	[sflag:s12] =	ssyncset.done $0x0  }
0x18: {  	s31 =	sadd.s32 $0x0, s10;
	[sflag:s12] =	ssyncadd.s32 $0xFFFFFF80  }
0x19: {  	[tilespmem:s13], [sflag:$0x2] =	stream.linear.gather [hbm4b:s31+s3], $0x80, $0x38;
	[tilespmem:$0x1CD00] =	vst v63  }
0x1a: {  	_ =	swait.ge [sflag:s12], $0x80  }
0x1b: {  	[sflag:s12] =	ssyncset.done $0x0  }
0x1c: {  	[sflag:s12] =	ssyncadd.s32 $0xFFFFFF80  }
0x1d: {  	[tilespmem:s14], [sflag:$0x1] =	stream.indirect.gather [hbm4b:s4+s13], $0x80, s3, s13, $0xb8;
	[tilespmem:$0x1CD00] =	vst v63  }
0x1e: {  	_ =	swait.ge [sflag:s15], $0x4000  }
0x1f: {  	[sflag:s15] =	ssyncset.done $0x0  }
0x20: {  	[sflag:s15] =	ssyncadd.s32 $0xFFFFC000  }
0x21: {  	[spmem:s2] =	stream.indirect.scatter.add.f32 [tilespmem:s14], [sflag:$0x2], $0x80, s13, s13, $0xb8;
	[tilespmem:$0x1CD00] =	vst v63  }
0x22: {  	_ =	swait.ge [sflag:s12], $0x4000  }
0x23: {  	s19 =	simm.s32 $0x20;
	s18 =	simm.s32 $0x10;
	[sflag:s12] =	ssyncset.done $0x0  }
.LBB2_2:
0x24: {  	s20 =	sadd.s32 s18, s9  }
0x25: {  	[sflag:s12] =	ssyncadd.s32 $0xFFFFC000;
	s21 =	smov.u32 s19;
	s22 =	sadd.s32 $0x10, s19  }
0x26: {  	[tilespmem:s3], [sflag:$0x2] =	stream.linear.gather [hbm4b:s20+s3], $0x80, $0x38;
	[tilespmem:$0x1CD00] =	vst v63  }
0x27: {  	p0 =	sne.s32 s19, $0x30F0;
	_ =	swait.ge [sflag:s12], $0x80  }
0x28: {  	[sflag:s12] =	ssyncset.done $0x0  }
0x29: {  	s19 =	sadd.s32 s18, s10;
	s18 =	smov.u32 s21;
	[sflag:s12] =	ssyncadd.s32 $0xFFFFFF80  }
0x2a: {  	[tilespmem:s13], [sflag:$0x2] =	stream.linear.gather [hbm4b:s19+s3], $0x80, $0x38;
	[tilespmem:$0x1CD00] =	vst v63  }
0x2b: {  	_ =	swait.ge [sflag:s12], $0x80  }
0x2c: {  	[sflag:s12] =	ssyncset.done $0x0  }
0x2d: {  	[sflag:s12] =	ssyncadd.s32 $0xFFFFFF80  }
0x2e: {  	[tilespmem:s14], [sflag:$0x1] =	stream.indirect.gather [hbm4b:s4+s13], $0x80, s3, s13, $0xb8;
	[tilespmem:$0x1CD00] =	vst v63  }
0x2f: {  	_ =	swait.ge [sflag:s15], $0x4000  }
.Ltmp0:
0x30: {  	[sflag:s15] =	ssyncset.done $0x0;
	(pc) =	sbr.rel @p0 .LBB2_2-.Ltmp0, $4  }
0x31: {  	[sflag:s15] =	ssyncadd.s32 $0xFFFFC000  }
0x32: {  	[spmem:s2] =	stream.indirect.scatter.add.f32 [tilespmem:s14], [sflag:$0x2], $0x80, s13, s13, $0xb8;
	[tilespmem:$0x1CD00] =	vst v63  }
0x33: {  	_ =	swait.ge [sflag:s12], $0x4000  }
0x34: {  	s19 =	smov.u32 s22;
	[sflag:s12] =	ssyncset.done $0x0  }
0x35: {  	s19 =	sadd.s32 s18, s9;
	[sflag:s12] =	ssyncadd.s32 $0xFFFFC000  }
0x36: {  	[tilespmem:s3], [sflag:$0x2] =	stream.linear.gather [hbm4b:s19+s3], $0x80, $0x38;
	[tilespmem:$0x1CD00] =	vst v63  }
0x37: {  	_ =	swait.ge [sflag:s12], $0x80  }
0x38: {  	[sflag:s12] =	ssyncset.done $0x0  }
0x39: {  	s31 =	sadd.s32 s18, s10;
	[sflag:s12] =	ssyncadd.s32 $0xFFFFFF80  }
0x3a: {  	[tilespmem:s13], [sflag:$0x2] =	stream.linear.gather [hbm4b:s31+s3], $0x80, $0x38;
	[tilespmem:$0x1CD00] =	vst v63  }
0x3b: {  	_ =	swait.ge [sflag:s12], $0x80  }
0x3c: {  	[sflag:s12] =	ssyncset.done $0x0  }
0x3d: {  	[sflag:s12] =	ssyncadd.s32 $0xFFFFFF80  }
0x3e: {  	[tilespmem:s14], [sflag:$0x1] =	stream.indirect.gather [hbm4b:s4+s13], $0x80, s3, s13, $0xb8;
	[tilespmem:$0x1CD00] =	vst v63  }
0x3f: {  	_ =	swait.ge [sflag:s15], $0x4000  }
0x40: {  	[sflag:s15] =	ssyncset.done $0x0  }
0x41: {  	[sflag:s15] =	ssyncadd.s32 $0xFFFFC000  }
0x42: {  	[spmem:s2] =	stream.indirect.scatter.add.f32 [tilespmem:s14], [sflag:$0x2], $0x80, s13, s13, $0xb8;
	[tilespmem:$0x1CD00] =	vst v63  }
0x43: {  	_ =	swait.ge [sflag:s12], $0x4000  }
0x44: {  	[sflag:s12] =	ssyncset.done $0x0  }
0x45: {  	s17 =	sadd.s32 $0x1, s17;
	[sflag:s12] =	ssyncadd.s32 $0xFFFFC000  }
0x46: {  	p0 =	sne.s32 s17, s8;
	[bflag:$0x0] =	sbarrier.arrive $0xFFFF  }
0x47: {  	[hbm:s7], [sflag:s6] =	dma.local [spmem:s16], $0x3100  }
.Ltmp1:
0x48: {  	_ =	swait.ge [sflag:s12], $0x3100;
	(pc) =	sbr.rel @p0 .LBB2_1-.Ltmp1, $3  }
0x49: {  	[sflag:s12] =	ssyncset.done $0x0  }
0x4a: {  	[sflag:s12] =	ssyncadd.s32 $0xFFFFCF00  }
0x4b: {  	[bflag:$0x0] =	sbarrier.arrive $0xFFFF;
	_ =	sdelay $0x1  }
0x4c: {  	_ =	sfence.sel $0x180000  }
0x4d: {  	[bflag:$0x0] =	sbarrier.arrive $0xFFFF  }
0x4e: {  	p0 =	sne.s32 s1, $0x0;
	_ =	strace $0x9000004D  }
0x4f: {  	s0 =	sadd.s32 @!p0 $0x100000, s0;
	[bflag:$0x2] =	sbarrier.arrive $0xFFFF  }
0x50: {  	[sflag:s0] =	ssyncadd.tile.s32 @!p0 $0x1;
	_ =	shalt  }
.Lfunc_end2:
_tile_overlayer_lowered:
.L_overlay_start_2:
0x51: {  	(tag) =	ssettag $0x2  }
0x52: {  	s0 =	rddreg [dreg:$0x0];
	s2 =	stileid.u32  }
0x53: {  	s1 =	rddreg [dreg:$0x1];
	p0 =	sne.s32 s2, $0x0  }
0x54: {  	s3 =	rddreg [dreg:$0x2];
	[bflag:$0x3] =	sbarrier.arrive $0xFFFF;
	s2 =	simm.s32 @!p0 $0x1C02  }
0x55: {  	[timem:s3], [sflag:s2] =	dma.local @!p0 [hbm:s0], s1  }
0x56: {  	s0 =	simm.s32 @!p0 $0x2  }
0x57: {  	_ =	swait.ge @!p0 [sflag:s0], s1  }
0x58: {  	s1 =	ssub.s32 @!p0 $0x0, s1;
	[sflag:s0] =	ssyncset.done @!p0 $0x0  }
0x59: {  	[sflag:s0] =	ssyncadd.s32 @!p0 s1  }
0x5a: {  	[bflag:$0x3] =	sbarrier.arrive $0xFFFF  }
0x5b: {  	_ =	shalt  }

// kernel: kernel.19.cloned.1.call-start
scs
__scs_entry_jumppad:
0x0: {  	(pc) =	sbr.rel $0x88, $3  }
0x1: {  	(tag) =	ssettag $0x0;
	lr =	simm.s32 $0x1  }
0x2: {  	[smem:$0x3F93] =	sst lr;
	_ =	strace $0xD0000000  }
0x3: {  	_ = 	snop  }
0x4: {  	_ = 	snop  }
0x5: {  	_ = 	snop  }
0x6: {  	_ = 	snop  }
0x7: {  	_ = 	snop  }
__scs_overlays_trampoline_lowered:
0x8: {  	[smem:$0x3FA2] =	sst s0  }
0x9: {  	[smem:$0x3FA3] =	sst s1  }
0xa: {  	[smem:$0x3FA4] =	sst s2  }
0xb: {  	[smem:$0x3FA5] =	sst s3  }
0xc: {  	[smem:$0x3FA6] =	sst s4  }
0xd: {  	[smem:$0x3FA7] =	sst s5  }
0xe: {  	[smem:$0x3FA8] =	sst s6  }
0xf: {  	[smem:$0x3FA9] =	sst s7  }
0x10: {  	[smem:$0x3FAA] =	sst s8  }
0x11: {  	[smem:$0x3FAB] =	sst s9;
	s0 =	simm.s32 @!p0 $0x0  }
0x12: {  	s1 =	sld [smem:$0x3F91];
	s0 =	simm.s32 @p0 $0x1  }
0x13: {  	[smem:$0x3FAC] =	sst s0;
	s0 =	simm.s32 @!p1 $0x0  }
0x14: {  	s2 =	sld [smem:$0x3F90];
	s0 =	simm.s32 @p1 $0x1  }
0x15: {  	[smem:$0x3FAD] =	sst s0;
	s0 =	simm.s32 @!p2 $0x0  }
0x16: {  	s3 =	sld [smem:$0x3FDB];
	s0 =	simm.s32 @p2 $0x1  }
0x17: {  	s4 =	simm.s32 $0x1BF5;
	[smem:$0x3FAF] =	sst s0  }
0x18: {  	s0 =	sld [smem:$0x3F92];
	_ =	swait.ge [sflag:s4], $0x0  }
0x19: {  	s7 =	sld [smem:$0x3F93]  }
0x1a: {  	s8 =	sadd.s32 $0xFFFFE003, lr  }
0x1b: {  	s9 =	sadd.s32 $0xFFFFFEF7, lr;
	s5 =	simm.s32 $0xFFFFFFFF;
	p2 =	slt.u32 s8, $0xFFFFF086  }
0x1c: {  	p1 =	slt.u32 s9, $0xF7A;
	s5 =	simm.s32 @!p2 $0x0  }
0x1d: {  	s5 =	simm.s32 @p1 $0x1;
	p0 =	seq.s32 s7, s2  }
0x1e: {  	s7 =	smul.u32 @!p0 $0xF7A, s2;
	p2 =	seq.s32 @!p0 s5, $0x0  }
0x1f: {  	s9 =	smul.u32 $0xF7A, s1;
	s8 =	simm.s32 @!p0 $0x1BF5;
	p2 =	por !p2, p0  }
0x20: {  	[sflag:s8] =	ssyncset.s32 @!p0 $0xFFFFF086;
	s6 =	sadd.s32 @!p0 s3, s7;
	s7 =	simm.s32 @!p0 $0x108  }
0x21: {  	s3 =	sadd.s32 s3, s9;
	s6 =	sadd.s32 @!p0 $0x88, s6;
	s7 =	simm.s32 @p2 $0x1082  }
0x22: {  	[simem:s7], [sflag:s8] =	dma.local @!p0 [hbm:s6], $0xF7A  }
0x23: {  	s9 =	sor.u32 $0xD0000000, s2;
	s6 =	simm.s32 $0x108;
	_ =	swait.ge @!p0 [sflag:s8], $0x0  }
0x24: {  	s3 =	sadd.s32 $0x88, s3;
	s6 =	simm.s32 @!p1 $0x1082;
	[sflag:s4] =	ssyncset.s32 $0xFFFFF086  }
0x25: {  	[simem:s6], [sflag:s4] =	dma.local [hbm:s3], $0xF7A  }
0x26: {  	[smem:$0x3F93] =	sst s1;
	(tag) =	ssettag s2;
	_ =	strace s9  }
0x27: {  	s1 =	sld [smem:$0x3FA3]  }
0x28: {  	s2 =	sld [smem:$0x3FA4]  }
0x29: {  	s4 =	sld [smem:$0x3FA6]  }
0x2a: {  	p0 =	seq.s32 s5, $0x0;
	s5 =	sld [smem:$0x3FA7]  }
0x2b: {  	s6 =	sld [smem:$0x3FA8]  }
0x2c: {  	s7 =	sld [smem:$0x3FA9]  }
0x2d: {  	s3 =	simm.s32 $0x108;
	s8 =	sld [smem:$0x3FAA]  }
0x2e: {  	s3 =	simm.s32 @!p0 $0x1082;
	s9 =	sld [smem:$0x3FAB]  }
0x2f: {  	lr =	sadd.s32 s0, s3;
	s0 =	sld [smem:$0x3FA2]  }
0x30: {  	s3 =	sld [smem:$0x3FA5]  }
0x31: {  	[smem:$0x3FAE] =	sst s10  }
0x32: {  	s10 =	sld [smem:$0x3FAC];
	_ =	sdelay $0x3  }
0x33: {  	p0 =	seq.s32 s10, $0x1;
	s10 =	sld [smem:$0x3FAE];
	_ =	sdelay $0x3  }
0x34: {  	[smem:$0x3FAE] =	sst s10  }
0x35: {  	s10 =	sld [smem:$0x3FAD];
	_ =	sdelay $0x3  }
0x36: {  	p1 =	seq.s32 s10, $0x1;
	s10 =	sld [smem:$0x3FAE];
	_ =	sdelay $0x3  }
0x37: {  	[smem:$0x3FAE] =	sst s10  }
0x38: {  	s10 =	sld [smem:$0x3FAF]  }
0x39: {  	_ = 	snop;
	(pc) =	sbr.ind lr, $3  }
0x3a: {  	_ = 	snop  }
0x3b: {  	_ = 	snop  }
0x3c: {  	p2 =	seq.s32 s10, $0x1;
	s10 =	sld [smem:$0x3FAE]  }
0x3d: {  	_ =	shalt  }
0x3e: {  	_ =	shalt  }
0x3f: {  	_ =	shalt  }
0x40: {  	_ =	shalt  }
0x41: {  	_ =	shalt  }
0x42: {  	_ =	shalt  }
0x43: {  	_ =	shalt  }
0x44: {  	_ =	shalt  }
0x45: {  	_ =	shalt  }
0x46: {  	_ =	shalt  }
0x47: {  	_ =	shalt  }
0x48: {  	_ =	shalt  }
0x49: {  	_ =	shalt  }
0x4a: {  	_ =	shalt  }
0x4b: {  	_ =	shalt  }
0x4c: {  	_ =	shalt  }
0x4d: {  	_ =	shalt  }
0x4e: {  	_ =	shalt  }
0x4f: {  	_ =	shalt  }
0x50: {  	_ =	shalt  }
0x51: {  	_ =	shalt  }
0x52: {  	_ =	shalt  }
0x53: {  	_ =	shalt  }
0x54: {  	_ =	shalt  }
0x55: {  	_ =	shalt  }
0x56: {  	_ =	shalt  }
0x57: {  	_ =	shalt  }
0x58: {  	_ =	shalt  }
0x59: {  	_ =	shalt  }
0x5a: {  	_ =	shalt  }
0x5b: {  	_ =	shalt  }
0x5c: {  	_ =	shalt  }
0x5d: {  	_ =	shalt  }
0x5e: {  	_ =	shalt  }
0x5f: {  	_ =	shalt  }
0x60: {  	_ =	shalt  }
0x61: {  	_ =	shalt  }
0x62: {  	_ =	shalt  }
0x63: {  	_ =	shalt  }
0x64: {  	_ =	shalt  }
0x65: {  	_ =	shalt  }
0x66: {  	_ =	shalt  }
0x67: {  	_ =	shalt  }
0x68: {  	_ =	shalt  }
0x69: {  	_ =	shalt  }
0x6a: {  	_ =	shalt  }
0x6b: {  	_ =	shalt  }
0x6c: {  	_ =	shalt  }
0x6d: {  	_ =	shalt  }
0x6e: {  	_ =	shalt  }
0x6f: {  	_ =	shalt  }
0x70: {  	_ =	shalt  }
0x71: {  	_ =	shalt  }
0x72: {  	_ =	shalt  }
0x73: {  	_ =	shalt  }
0x74: {  	_ =	shalt  }
0x75: {  	_ =	shalt  }
0x76: {  	_ =	shalt  }
0x77: {  	_ =	shalt  }
0x78: {  	_ =	shalt  }
0x79: {  	_ =	shalt  }
0x7a: {  	_ =	shalt  }
0x7b: {  	_ =	shalt  }
0x7c: {  	_ =	shalt  }
0x7d: {  	_ =	shalt  }
0x7e: {  	_ =	shalt  }
0x7f: {  	_ =	shalt  }
0x80: {  	_ =	shalt  }
0x81: {  	_ =	shalt  }
0x82: {  	_ =	shalt  }
0x83: {  	_ =	shalt  }
0x84: {  	_ =	shalt  }
0x85: {  	_ =	shalt  }
0x86: {  	_ =	shalt  }
0x87: {  	_ =	shalt  }
.Lfunc_end0:
.L_simem_size_0:
called_computation.3_lowered:
.L_overlay_start_0:
0x88: {  	s2 =	sld [smem:$0x3FD9]  }
0x89: {  	s3 =	sld [smem:$0x3FFE];
	_ =	sdelay $0x1  }
0x8a: {  	s1 =	srdreg.scid  }
0x8b: {  	s0 =	sand.u32 $0x1, s1  }
0x8c: {  	s16 =	sshll.u32 s0, $0xA;
	s2 =	sadd.s32 s3, s2  }
0x8d: {  	s2 =	sadd.s32 s2, s16  }
0x8e: {  	[smem:$0x3FBA] =	sst s2  }
0x8f: {  	_ = 	snop  }
0x90: {  	(tm) =	ssettm $0x1  }
0x91: {  	s17 =	sld [smem:$0x3FFB];
	_ =	sdelay $0x3  }
0x92: {  	_ =	strace s17  }
0x93: {  	s2 =	sld [smem:$0x3FFC];
	_ =	sdelay $0x3  }
0x94: {  	_ =	strace s2  }
0x95: {  	s2 =	sld [smem:$0x3FFD];
	_ =	sdelay $0x3  }
0x96: {  	_ =	strace s2  }
0x97: {  	_ =	strace $0x8FFFFFFF  }
0x98: {  	s18 =	sld [smem:$0x3FDB];
	_ =	sdelay $0x1  }
0x99: {  	s19 =	simm.s32 $_scs_section_size  }
0x9a: {  	s4 =	simm.s32 $_size__tile_overlayer_lowered;
	s5 =	simm.s32 $_tile_overlayer_lowered  }
0x9b: {  	s22 =	simm.s32 $0x1BFF;
	s21 =	sshll.u32 s5, $0x1;
	s2 =	sadd.s32 s19, s18  }
0x9c: {  	s6 =	simm.s32 $0x0;
	s20 =	sshll.u32 s4, $0x1;
	s4 =	sadd.s32 s21, s2  }
0x9d: {  	[timem:s6], [sflag:s22] =	dma.local [hbm:s4], s20  }
0x9e: {  	_ =	swait.ge [sflag:s22], s20  }
0x9f: {  	s3 =	ssub.s32 $0x0, s20;
	[sflag:s22] =	ssyncset.done $0x0  }
0xa0: {  	[sflag:s22] =	ssyncadd.s32 s3;
	_ =	sdelay $0x1  }
0xa1: {  	s23 =	simm.s32 $0x1B8B  }
0xa2: {  	_ =	swait.ge [sflag:s23], $0x1  }
0xa3: {  	[sflag:s23] =	ssyncset.done $0x0  }
0xa4: {  	s25 =	simm.s32 $0x1B8E;
	s24 =	sld [smem:$0x3FFE];
	[sflag:s23] =	ssyncadd.s32 $0xFFFFFFFF  }
0xa5: {  	s26 =	simm.s32 $execute0_lowered;
	[smem:$0x3FD2] =	sst s25  }
0xa6: {  	s4 =	sshll.u32 s26, $0x1;
	_ =	strace $0x8000004F;
	[dreg:$0x1] =	wrdreg $0xFFFFFFFF  }
0xa7: {  	s28 =	simm.s32 $_size_execute0_lowered;
	s2 =	sadd.s32 s2, s4;
	[dreg:$0x0] =	wrdreg $0x0  }
0xa8: {  	s4 =	sshll.u32 s28, $0x1;
	[dreg:$0x2] =	wrdreg s2  }
0xa9: {  	[dreg:$0x3] =	wrdreg s4  }
0xaa: {  	[dreg:$0x4] =	wrdreg $0xC0  }
0xab: {  	_ =	task [dreg:s6], $0x5FFFF  }
0xac: {  	[dreg:$0x1] =	wrdreg $0xFFFFFFFF  }
0xad: {  	[dreg:$0x0] =	wrdreg $0x60  }
0xae: {  	[dreg:$0x2] =	wrdreg s24  }
0xaf: {  	[dreg:$0x3] =	wrdreg $0x41000  }
0xb0: {  	[dreg:$0x4] =	wrdreg $0x9  }
0xb1: {  	_ =	task.clear_ibuf [dreg:s6], $0x5FFFF;
	_ =	strace $0x9000004F  }
0xb2: {  	s29 =	simm.s32 $0x9;
	_ =	strace $0x80000051  }
0xb3: {  	_ =	swait.ge [sflag:s29], $0x1  }
0xb4: {  	[sflag:s29] =	ssyncadd.s32 $0xFFFFFFFF  }
0xb5: {  	_ =	strace $0x90000051  }
0xb6: {  	_ =	sfence  }
0xb7: {  	s30 =	sld [smem:$0x0];
	_ =	sdelay $0x2  }
0xb8: {  	s31 =	sshll.u32 s1, $0xD;
	s1 =	sshrl.u32 s1, $0x2  }
0xb9: {  	s3 =	sand.u32 $0x4000, s31;
	s1 =	sadd.s32 s1, s30  }
0xba: {  	s0 =	sor.u32 s3, s0;
	s1 =	sshll.u32 s1, $0x11  }
0xbb: {  	s0 =	sor.u32 s1, s0  }
0xbc: {  	s0 =	sadd.s32 $0x8F2B, s0  }
0xbd: {  	[sflag:s0] =	ssyncadd.remote.s32 $0x1  }
0xbe: {  	_ =	sfence.sel $0xFFFF  }
0xbf: {  	[dreg:$0x0] =	wrdreg $0xFFFFFFFF;
	(pc) =	sbr.abs _section_cstart, $3  }
0xc0: {  	[dreg:$0x1] =	wrdreg $0xFFFFFFFF  }
0xc1: {  	_ =	task.clear_ibuf [dreg:s6], $0x2FFFF;
	_ =	strace $0x9FFFFFFF  }
0xc2: {  	(tm) =	ssettm $0x7FFFFFFF  }
0xc3: {  	_ =	shalt  }
tec
execute0_lowered:
.L_overlay_start_1:
0x0: {  	(tag) =	ssettag $0x1  }
0x1: {  	s5 =	rddreg [dreg:$0x0];
	s1 =	stileid.u32  }
0x2: {  	s2 =	rddreg [dreg:$0x1];
	s11 =	smul.u32 $0x3100, s1  }
0x3: {  	s0 =	rddreg [dreg:$0x2];
	s6 =	smul.u32 $0x310, s1  }
0x4: {  	s3 =	simm.s32 $0x0;
	s4 =	srdreg.scid;
	s9 =	smul.u32 $0x3180, s1  }
0x5: {  	s19 =	simm.s32 $0x0;
	[smem:$0x7FF] =	sst s3;
	s25 =	smul.u32 $0x63000, s1  }
0x6: {  	s7 =	sand.u32 $0x1, s4;
	s4 =	sadd.s32 $0x1C2000, s5;
	s15 =	smul.u32 $0x62000, s1  }
0x7: {  	s12 =	sadd.s32 $0x7EEE00, s5;
	s28 =	sshll.u32 s1, $0x6;
	s8 =	smul.u32 $0x6200, s7  }
0x8: {  	_ =	strace $0x80000050;
	s26 =	ssub.s32 $0x2, s7;
	s30 =	smul.u32 $0x62000, s7  }
0x9: {  	s10 =	sadd.s32 s11, s5;
	s9 =	sadd.s32 s9, s5;
	s14 =	sshrl.u32 s26, $0x1  }
0xa: {  	s29 =	sshrl.u32 s15, $0x2;
	s15 =	simm.s32 $0x80;
	s6 =	sadd.s32 s6, s8  }
0xb: {  	s8 =	sshrl.u32 s25, $0x2;
	s14 =	ssub.s32 s26, s14;
	s18 =	sadd.s32 s29, s2  }
0xc: {  	s10 =	sadd.s32 $0x7B3600, s10;
	s31 =	sadd.s32 s30, s12;
	s13 =	sshll.u32 s6, $0x4  }
0xd: {  	s17 =	sadd.s32 s8, s2;
	s6 =	sor.u32 $0x1C02, s28;
	s11 =	sadd.s32 s11, s31  }
0xe: {  	s18 =	sshrl.u32 s18, $0x3;
	s16 =	sadd.s32 s13, s5;
	s5 =	sadd.s32 $0x914E00, s9  }
0xf: {  	s9 =	smax.u32 s14, $0x1;
	s12 =	sadd.s32 s12, s13;
	s13 =	sshrl.u32 s17, $0x3  }
0x10: {  	s14 =	simm.s32 $0x2;
	s17 =	simm.s32 $0x1;
	s7 =	sadd.s32 $0x2000, s16  }
0x11: {  	s8 =	sadd.s32 $0x33000, s16;
	s12 =	sadd.s32 $0x31000, s12;
	s16 =	simm.s32 $0x100  }
.LBB2_1:
0x12: {  	[spmem:s13], [sflag:s6] =	dma.local [hbm:s5], $0x3180  }
0x13: {  	_ =	swait.ge [sflag:s14], $0x3180  }
0x14: {  	[sflag:s14] =	ssyncset.done $0x0  }
0x15: {  	[sflag:s14] =	ssyncadd.s32 $0xFFFFCE80  }
0x16: {  	s20 =	sadd.s32 $0x0, s10;
	[bflag:$0x0] =	sbarrier.arrive $0xFFFF  }
0x17: {  	[tilespmem:s3], [sflag:$0x2] =	stream.linear.gather [hbm4b:s20+s3], $0x80, $0x38;
	[tilespmem:$0x1CD00] =	vst v63  }
0x18: {  	_ =	swait.ge [sflag:s14], $0x80  }
0x19: {  	[sflag:s14] =	ssyncset.done $0x0  }
0x1a: {  	s31 =	sadd.s32 $0x0, s11;
	[sflag:s14] =	ssyncadd.s32 $0xFFFFFF80  }
0x1b: {  	[tilespmem:s15], [sflag:$0x2] =	stream.linear.gather [hbm4b:s31+s3], $0x80, $0x38;
	[tilespmem:$0x1CD00] =	vst v63  }
0x1c: {  	_ =	swait.ge [sflag:s14], $0x80  }
0x1d: {  	[sflag:s14] =	ssyncset.done $0x0  }
0x1e: {  	[sflag:s14] =	ssyncadd.s32 $0xFFFFFF80  }
0x1f: {  	[tilespmem:s16], [sflag:$0x1] =	stream.indirect.gather [hbm4b:s4+s15], $0x80, s3, s15, $0xb8;
	[tilespmem:$0x1CD00] =	vst v63  }
0x20: {  	_ =	swait.ge [sflag:s17], $0x4000  }
0x21: {  	[sflag:s17] =	ssyncset.done $0x0  }
0x22: {  	[sflag:s17] =	ssyncadd.s32 $0xFFFFC000  }
0x23: {  	[spmem:s2] =	stream.indirect.scatter.add.f32 [tilespmem:s16], [sflag:$0x2], $0x80, s15, s15, $0xb8;
	[tilespmem:$0x1CD00] =	vst v63  }
0x24: {  	_ =	swait.ge [sflag:s14], $0x4000  }
0x25: {  	s21 =	simm.s32 $0x20;
	s20 =	simm.s32 $0x10;
	[sflag:s14] =	ssyncset.done $0x0  }
.LBB2_2:
0x26: {  	s22 =	sadd.s32 s20, s10  }
0x27: {  	[sflag:s14] =	ssyncadd.s32 $0xFFFFC000;
	s23 =	smov.u32 s21;
	s24 =	sadd.s32 $0x10, s21  }
0x28: {  	[tilespmem:s3], [sflag:$0x2] =	stream.linear.gather [hbm4b:s22+s3], $0x80, $0x38;
	[tilespmem:$0x1CD00] =	vst v63  }
0x29: {  	p0 =	sne.s32 s21, $0x30F0;
	_ =	swait.ge [sflag:s14], $0x80  }
0x2a: {  	[sflag:s14] =	ssyncset.done $0x0  }
0x2b: {  	s21 =	sadd.s32 s20, s11;
	s20 =	smov.u32 s23;
	[sflag:s14] =	ssyncadd.s32 $0xFFFFFF80  }
0x2c: {  	[tilespmem:s15], [sflag:$0x2] =	stream.linear.gather [hbm4b:s21+s3], $0x80, $0x38;
	[tilespmem:$0x1CD00] =	vst v63  }
0x2d: {  	_ =	swait.ge [sflag:s14], $0x80  }
0x2e: {  	[sflag:s14] =	ssyncset.done $0x0  }
0x2f: {  	[sflag:s14] =	ssyncadd.s32 $0xFFFFFF80  }
0x30: {  	[tilespmem:s16], [sflag:$0x1] =	stream.indirect.gather [hbm4b:s4+s15], $0x80, s3, s15, $0xb8;
	[tilespmem:$0x1CD00] =	vst v63  }
0x31: {  	_ =	swait.ge [sflag:s17], $0x4000  }
.Ltmp0:
0x32: {  	[sflag:s17] =	ssyncset.done $0x0;
	(pc) =	sbr.rel @p0 .LBB2_2-.Ltmp0, $4  }
0x33: {  	[sflag:s17] =	ssyncadd.s32 $0xFFFFC000  }
0x34: {  	[spmem:s2] =	stream.indirect.scatter.add.f32 [tilespmem:s16], [sflag:$0x2], $0x80, s15, s15, $0xb8;
	[tilespmem:$0x1CD00] =	vst v63  }
0x35: {  	_ =	swait.ge [sflag:s14], $0x4000  }
0x36: {  	s21 =	smov.u32 s24;
	[sflag:s14] =	ssyncset.done $0x0  }
0x37: {  	s21 =	sadd.s32 s20, s10;
	[sflag:s14] =	ssyncadd.s32 $0xFFFFC000  }
0x38: {  	[tilespmem:s3], [sflag:$0x2] =	stream.linear.gather [hbm4b:s21+s3], $0x80, $0x38;
	[tilespmem:$0x1CD00] =	vst v63  }
0x39: {  	_ =	swait.ge [sflag:s14], $0x80  }
0x3a: {  	[sflag:s14] =	ssyncset.done $0x0  }
0x3b: {  	s29 =	sadd.s32 s20, s11;
	[sflag:s14] =	ssyncadd.s32 $0xFFFFFF80  }
0x3c: {  	[tilespmem:s15], [sflag:$0x2] =	stream.linear.gather [hbm4b:s29+s3], $0x80, $0x38;
	[tilespmem:$0x1CD00] =	vst v63  }
0x3d: {  	_ =	swait.ge [sflag:s14], $0x80  }
0x3e: {  	[sflag:s14] =	ssyncset.done $0x0  }
0x3f: {  	[sflag:s14] =	ssyncadd.s32 $0xFFFFFF80  }
0x40: {  	[tilespmem:s16], [sflag:$0x1] =	stream.indirect.gather [hbm4b:s4+s15], $0x80, s3, s15, $0xb8;
	[tilespmem:$0x1CD00] =	vst v63  }
0x41: {  	_ =	swait.ge [sflag:s17], $0x4000  }
0x42: {  	[sflag:s17] =	ssyncset.done $0x0  }
0x43: {  	[sflag:s17] =	ssyncadd.s32 $0xFFFFC000  }
0x44: {  	[spmem:s2] =	stream.indirect.scatter.add.f32 [tilespmem:s16], [sflag:$0x2], $0x80, s15, s15, $0xb8;
	[tilespmem:$0x1CD00] =	vst v63  }
0x45: {  	_ =	swait.ge [sflag:s14], $0x4000  }
0x46: {  	[sflag:s14] =	ssyncset.done $0x0  }
0x47: {  	[sflag:s14] =	ssyncadd.s32 $0xFFFFC000  }
0x48: {  	[bflag:$0x0] =	sbarrier.arrive $0xFFFF  }
0x49: {  	[hbm:s7], [sflag:s6] =	dma.local [spmem:s18], $0x3100  }
0x4a: {  	_ =	swait.ge [sflag:s14], $0x3100  }
0x4b: {  	[sflag:s14] =	ssyncset.done $0x0  }
0x4c: {  	[sflag:s14] =	ssyncadd.s32 $0xFFFFCF00  }
0x4d: {  	[bflag:$0x0] =	sbarrier.arrive $0xFFFF  }
0x4e: {  	[spmem:s13], [sflag:s6] =	dma.local [hbm:s5], $0x3180  }
0x4f: {  	_ =	swait.ge [sflag:s14], $0x3180  }
0x50: {  	[sflag:s14] =	ssyncset.done $0x0  }
0x51: {  	[sflag:s14] =	ssyncadd.s32 $0xFFFFCE80  }
0x52: {  	s30 =	sadd.s32 $0x0, s10;
	[bflag:$0x0] =	sbarrier.arrive $0xFFFF  }
0x53: {  	[tilespmem:s3], [sflag:$0x2] =	stream.linear.gather [hbm4b:s30+s3], $0x80, $0x38;
	[tilespmem:$0x1CD00] =	vst v63  }
0x54: {  	_ =	swait.ge [sflag:s14], $0x80  }
0x55: {  	[sflag:s14] =	ssyncset.done $0x0  }
0x56: {  	s31 =	sadd.s32 $0x0, s12;
	[sflag:s14] =	ssyncadd.s32 $0xFFFFFF80  }
0x57: {  	[tilespmem:s15], [sflag:$0x2] =	stream.linear.gather [hbm4b:s31+s3], $0x80, $0x38;
	[tilespmem:$0x1CD00] =	vst v63  }
0x58: {  	_ =	swait.ge [sflag:s14], $0x80  }
0x59: {  	[sflag:s14] =	ssyncset.done $0x0  }
0x5a: {  	[sflag:s14] =	ssyncadd.s32 $0xFFFFFF80  }
0x5b: {  	[tilespmem:s16], [sflag:$0x1] =	stream.indirect.gather [hbm4b:s4+s15], $0x80, s3, s15, $0xb8;
	[tilespmem:$0x1CD00] =	vst v63  }
0x5c: {  	_ =	swait.ge [sflag:s17], $0x4000  }
0x5d: {  	[sflag:s17] =	ssyncset.done $0x0  }
0x5e: {  	[sflag:s17] =	ssyncadd.s32 $0xFFFFC000  }
0x5f: {  	[spmem:s2] =	stream.indirect.scatter.add.f32 [tilespmem:s16], [sflag:$0x2], $0x80, s15, s15, $0xb8;
	[tilespmem:$0x1CD00] =	vst v63  }
0x60: {  	_ =	swait.ge [sflag:s14], $0x4000  }
0x61: {  	s20 =	simm.s32 $0x10;
	s21 =	simm.s32 $0x20;
	[sflag:s14] =	ssyncset.done $0x0  }
.LBB2_4:
0x62: {  	s22 =	sadd.s32 s20, s10  }
0x63: {  	[sflag:s14] =	ssyncadd.s32 $0xFFFFC000;
	s23 =	smov.u32 s21;
	s24 =	sadd.s32 $0x10, s21  }
0x64: {  	[tilespmem:s3], [sflag:$0x2] =	stream.linear.gather [hbm4b:s22+s3], $0x80, $0x38;
	[tilespmem:$0x1CD00] =	vst v63  }
0x65: {  	p0 =	sne.s32 s21, $0x30F0;
	_ =	swait.ge [sflag:s14], $0x80  }
0x66: {  	[sflag:s14] =	ssyncset.done $0x0  }
0x67: {  	s21 =	sadd.s32 s20, s12;
	s20 =	smov.u32 s23;
	[sflag:s14] =	ssyncadd.s32 $0xFFFFFF80  }
0x68: {  	[tilespmem:s15], [sflag:$0x2] =	stream.linear.gather [hbm4b:s21+s3], $0x80, $0x38;
	[tilespmem:$0x1CD00] =	vst v63  }
0x69: {  	_ =	swait.ge [sflag:s14], $0x80  }
0x6a: {  	[sflag:s14] =	ssyncset.done $0x0  }
0x6b: {  	[sflag:s14] =	ssyncadd.s32 $0xFFFFFF80  }
0x6c: {  	[tilespmem:s16], [sflag:$0x1] =	stream.indirect.gather [hbm4b:s4+s15], $0x80, s3, s15, $0xb8;
	[tilespmem:$0x1CD00] =	vst v63  }
0x6d: {  	_ =	swait.ge [sflag:s17], $0x4000  }
.Ltmp1:
0x6e: {  	[sflag:s17] =	ssyncset.done $0x0;
	(pc) =	sbr.rel @p0 .LBB2_4-.Ltmp1, $4  }
0x6f: {  	[sflag:s17] =	ssyncadd.s32 $0xFFFFC000  }
0x70: {  	[spmem:s2] =	stream.indirect.scatter.add.f32 [tilespmem:s16], [sflag:$0x2], $0x80, s15, s15, $0xb8;
	[tilespmem:$0x1CD00] =	vst v63  }
0x71: {  	_ =	swait.ge [sflag:s14], $0x4000  }
0x72: {  	s21 =	smov.u32 s24;
	[sflag:s14] =	ssyncset.done $0x0  }
0x73: {  	s21 =	sadd.s32 s20, s10;
	[sflag:s14] =	ssyncadd.s32 $0xFFFFC000  }
0x74: {  	[tilespmem:s3], [sflag:$0x2] =	stream.linear.gather [hbm4b:s21+s3], $0x80, $0x38;
	[tilespmem:$0x1CD00] =	vst v63  }
0x75: {  	_ =	swait.ge [sflag:s14], $0x80  }
0x76: {  	[sflag:s14] =	ssyncset.done $0x0  }
0x77: {  	s31 =	sadd.s32 s20, s12;
	[sflag:s14] =	ssyncadd.s32 $0xFFFFFF80  }
0x78: {  	[tilespmem:s15], [sflag:$0x2] =	stream.linear.gather [hbm4b:s31+s3], $0x80, $0x38;
	[tilespmem:$0x1CD00] =	vst v63  }
0x79: {  	_ =	swait.ge [sflag:s14], $0x80  }
0x7a: {  	[sflag:s14] =	ssyncset.done $0x0  }
0x7b: {  	[sflag:s14] =	ssyncadd.s32 $0xFFFFFF80  }
0x7c: {  	[tilespmem:s16], [sflag:$0x1] =	stream.indirect.gather [hbm4b:s4+s15], $0x80, s3, s15, $0xb8;
	[tilespmem:$0x1CD00] =	vst v63  }
0x7d: {  	_ =	swait.ge [sflag:s17], $0x4000  }
0x7e: {  	[sflag:s17] =	ssyncset.done $0x0  }
0x7f: {  	[sflag:s17] =	ssyncadd.s32 $0xFFFFC000  }
0x80: {  	[spmem:s2] =	stream.indirect.scatter.add.f32 [tilespmem:s16], [sflag:$0x2], $0x80, s15, s15, $0xb8;
	[tilespmem:$0x1CD00] =	vst v63  }
0x81: {  	_ =	swait.ge [sflag:s14], $0x4000  }
0x82: {  	[sflag:s14] =	ssyncset.done $0x0  }
0x83: {  	s19 =	sadd.s32 $0x1, s19;
	[sflag:s14] =	ssyncadd.s32 $0xFFFFC000  }
0x84: {  	p0 =	sne.s32 s19, s9;
	[bflag:$0x0] =	sbarrier.arrive $0xFFFF  }
0x85: {  	[hbm:s8], [sflag:s6] =	dma.local [spmem:s18], $0x3100  }
.Ltmp2:
0x86: {  	_ =	swait.ge [sflag:s14], $0x3100;
	(pc) =	sbr.rel @p0 .LBB2_1-.Ltmp2, $3  }
0x87: {  	[sflag:s14] =	ssyncset.done $0x0  }
0x88: {  	[sflag:s14] =	ssyncadd.s32 $0xFFFFCF00  }
0x89: {  	[bflag:$0x0] =	sbarrier.arrive $0xFFFF;
	_ =	sdelay $0x1  }
0x8a: {  	_ =	sfence.sel $0x180000  }
0x8b: {  	[bflag:$0x0] =	sbarrier.arrive $0xFFFF  }
0x8c: {  	p0 =	sne.s32 s1, $0x0;
	_ =	strace $0x90000050  }
0x8d: {  	s0 =	sadd.s32 @!p0 $0x100000, s0;
	[bflag:$0x2] =	sbarrier.arrive $0xFFFF  }
0x8e: {  	[sflag:s0] =	ssyncadd.tile.s32 @!p0 $0x1;
	_ =	shalt  }
.Lfunc_end2:
_tile_overlayer_lowered:
.L_overlay_start_2:
0x8f: {  	(tag) =	ssettag $0x2  }
0x90: {  	s0 =	rddreg [dreg:$0x0];
	s2 =	stileid.u32  }
0x91: {  	s1 =	rddreg [dreg:$0x1];
	p0 =	sne.s32 s2, $0x0  }
0x92: {  	s3 =	rddreg [dreg:$0x2];
	[bflag:$0x3] =	sbarrier.arrive $0xFFFF;
	s2 =	simm.s32 @!p0 $0x1C02  }
0x93: {  	[timem:s3], [sflag:s2] =	dma.local @!p0 [hbm:s0], s1  }
0x94: {  	s0 =	simm.s32 @!p0 $0x2  }
0x95: {  	_ =	swait.ge @!p0 [sflag:s0], s1  }
0x96: {  	s1 =	ssub.s32 @!p0 $0x0, s1;
	[sflag:s0] =	ssyncset.done @!p0 $0x0  }
0x97: {  	[sflag:s0] =	ssyncadd.s32 @!p0 s1  }
0x98: {  	[bflag:$0x3] =	sbarrier.arrive $0xFFFF  }
0x99: {  	_ =	shalt  }

// kernel: kernel.22.cloned.1.call-start
scs
__scs_entry_jumppad:
0x0: {  	(pc) =	sbr.rel $0x88, $3  }
0x1: {  	(tag) =	ssettag $0x0;
	lr =	simm.s32 $0x1  }
0x2: {  	[smem:$0x3F93] =	sst lr;
	_ =	strace $0xD0000000  }
0x3: {  	_ = 	snop  }
0x4: {  	_ = 	snop  }
0x5: {  	_ = 	snop  }
0x6: {  	_ = 	snop  }
0x7: {  	_ = 	snop  }
__scs_overlays_trampoline_lowered:
0x8: {  	[smem:$0x3FA2] =	sst s0  }
0x9: {  	[smem:$0x3FA3] =	sst s1  }
0xa: {  	[smem:$0x3FA4] =	sst s2  }
0xb: {  	[smem:$0x3FA5] =	sst s3  }
0xc: {  	[smem:$0x3FA6] =	sst s4  }
0xd: {  	[smem:$0x3FA7] =	sst s5  }
0xe: {  	[smem:$0x3FA8] =	sst s6  }
0xf: {  	[smem:$0x3FA9] =	sst s7  }
0x10: {  	[smem:$0x3FAA] =	sst s8  }
0x11: {  	[smem:$0x3FAB] =	sst s9;
	s0 =	simm.s32 @!p0 $0x0  }
0x12: {  	s1 =	sld [smem:$0x3F91];
	s0 =	simm.s32 @p0 $0x1  }
0x13: {  	[smem:$0x3FAC] =	sst s0;
	s0 =	simm.s32 @!p1 $0x0  }
0x14: {  	s2 =	sld [smem:$0x3F90];
	s0 =	simm.s32 @p1 $0x1  }
0x15: {  	[smem:$0x3FAD] =	sst s0;
	s0 =	simm.s32 @!p2 $0x0  }
0x16: {  	s3 =	sld [smem:$0x3FDB];
	s0 =	simm.s32 @p2 $0x1  }
0x17: {  	s4 =	simm.s32 $0x1BF5;
	[smem:$0x3FAF] =	sst s0  }
0x18: {  	s0 =	sld [smem:$0x3F92];
	_ =	swait.ge [sflag:s4], $0x0  }
0x19: {  	s7 =	sld [smem:$0x3F93]  }
0x1a: {  	s8 =	sadd.s32 $0xFFFFE003, lr  }
0x1b: {  	s9 =	sadd.s32 $0xFFFFFEF7, lr;
	s5 =	simm.s32 $0xFFFFFFFF;
	p2 =	slt.u32 s8, $0xFFFFF086  }
0x1c: {  	p1 =	slt.u32 s9, $0xF7A;
	s5 =	simm.s32 @!p2 $0x0  }
0x1d: {  	s5 =	simm.s32 @p1 $0x1;
	p0 =	seq.s32 s7, s2  }
0x1e: {  	s7 =	smul.u32 @!p0 $0xF7A, s2;
	p2 =	seq.s32 @!p0 s5, $0x0  }
0x1f: {  	s9 =	smul.u32 $0xF7A, s1;
	s8 =	simm.s32 @!p0 $0x1BF5;
	p2 =	por !p2, p0  }
0x20: {  	[sflag:s8] =	ssyncset.s32 @!p0 $0xFFFFF086;
	s6 =	sadd.s32 @!p0 s3, s7;
	s7 =	simm.s32 @!p0 $0x108  }
0x21: {  	s3 =	sadd.s32 s3, s9;
	s6 =	sadd.s32 @!p0 $0x88, s6;
	s7 =	simm.s32 @p2 $0x1082  }
0x22: {  	[simem:s7], [sflag:s8] =	dma.local @!p0 [hbm:s6], $0xF7A  }
0x23: {  	s9 =	sor.u32 $0xD0000000, s2;
	s6 =	simm.s32 $0x108;
	_ =	swait.ge @!p0 [sflag:s8], $0x0  }
0x24: {  	s3 =	sadd.s32 $0x88, s3;
	s6 =	simm.s32 @!p1 $0x1082;
	[sflag:s4] =	ssyncset.s32 $0xFFFFF086  }
0x25: {  	[simem:s6], [sflag:s4] =	dma.local [hbm:s3], $0xF7A  }
0x26: {  	[smem:$0x3F93] =	sst s1;
	(tag) =	ssettag s2;
	_ =	strace s9  }
0x27: {  	s1 =	sld [smem:$0x3FA3]  }
0x28: {  	s2 =	sld [smem:$0x3FA4]  }
0x29: {  	s4 =	sld [smem:$0x3FA6]  }
0x2a: {  	p0 =	seq.s32 s5, $0x0;
	s5 =	sld [smem:$0x3FA7]  }
0x2b: {  	s6 =	sld [smem:$0x3FA8]  }
0x2c: {  	s7 =	sld [smem:$0x3FA9]  }
0x2d: {  	s3 =	simm.s32 $0x108;
	s8 =	sld [smem:$0x3FAA]  }
0x2e: {  	s3 =	simm.s32 @!p0 $0x1082;
	s9 =	sld [smem:$0x3FAB]  }
0x2f: {  	lr =	sadd.s32 s0, s3;
	s0 =	sld [smem:$0x3FA2]  }
0x30: {  	s3 =	sld [smem:$0x3FA5]  }
0x31: {  	[smem:$0x3FAE] =	sst s10  }
0x32: {  	s10 =	sld [smem:$0x3FAC];
	_ =	sdelay $0x3  }
0x33: {  	p0 =	seq.s32 s10, $0x1;
	s10 =	sld [smem:$0x3FAE];
	_ =	sdelay $0x3  }
0x34: {  	[smem:$0x3FAE] =	sst s10  }
0x35: {  	s10 =	sld [smem:$0x3FAD];
	_ =	sdelay $0x3  }
0x36: {  	p1 =	seq.s32 s10, $0x1;
	s10 =	sld [smem:$0x3FAE];
	_ =	sdelay $0x3  }
0x37: {  	[smem:$0x3FAE] =	sst s10  }
0x38: {  	s10 =	sld [smem:$0x3FAF]  }
0x39: {  	_ = 	snop;
	(pc) =	sbr.ind lr, $3  }
0x3a: {  	_ = 	snop  }
0x3b: {  	_ = 	snop  }
0x3c: {  	p2 =	seq.s32 s10, $0x1;
	s10 =	sld [smem:$0x3FAE]  }
0x3d: {  	_ =	shalt  }
0x3e: {  	_ =	shalt  }
0x3f: {  	_ =	shalt  }
0x40: {  	_ =	shalt  }
0x41: {  	_ =	shalt  }
0x42: {  	_ =	shalt  }
0x43: {  	_ =	shalt  }
0x44: {  	_ =	shalt  }
0x45: {  	_ =	shalt  }
0x46: {  	_ =	shalt  }
0x47: {  	_ =	shalt  }
0x48: {  	_ =	shalt  }
0x49: {  	_ =	shalt  }
0x4a: {  	_ =	shalt  }
0x4b: {  	_ =	shalt  }
0x4c: {  	_ =	shalt  }
0x4d: {  	_ =	shalt  }
0x4e: {  	_ =	shalt  }
0x4f: {  	_ =	shalt  }
0x50: {  	_ =	shalt  }
0x51: {  	_ =	shalt  }
0x52: {  	_ =	shalt  }
0x53: {  	_ =	shalt  }
0x54: {  	_ =	shalt  }
0x55: {  	_ =	shalt  }
0x56: {  	_ =	shalt  }
0x57: {  	_ =	shalt  }
0x58: {  	_ =	shalt  }
0x59: {  	_ =	shalt  }
0x5a: {  	_ =	shalt  }
0x5b: {  	_ =	shalt  }
0x5c: {  	_ =	shalt  }
0x5d: {  	_ =	shalt  }
0x5e: {  	_ =	shalt  }
0x5f: {  	_ =	shalt  }
0x60: {  	_ =	shalt  }
0x61: {  	_ =	shalt  }
0x62: {  	_ =	shalt  }
0x63: {  	_ =	shalt  }
0x64: {  	_ =	shalt  }
0x65: {  	_ =	shalt  }
0x66: {  	_ =	shalt  }
0x67: {  	_ =	shalt  }
0x68: {  	_ =	shalt  }
0x69: {  	_ =	shalt  }
0x6a: {  	_ =	shalt  }
0x6b: {  	_ =	shalt  }
0x6c: {  	_ =	shalt  }
0x6d: {  	_ =	shalt  }
0x6e: {  	_ =	shalt  }
0x6f: {  	_ =	shalt  }
0x70: {  	_ =	shalt  }
0x71: {  	_ =	shalt  }
0x72: {  	_ =	shalt  }
0x73: {  	_ =	shalt  }
0x74: {  	_ =	shalt  }
0x75: {  	_ =	shalt  }
0x76: {  	_ =	shalt  }
0x77: {  	_ =	shalt  }
0x78: {  	_ =	shalt  }
0x79: {  	_ =	shalt  }
0x7a: {  	_ =	shalt  }
0x7b: {  	_ =	shalt  }
0x7c: {  	_ =	shalt  }
0x7d: {  	_ =	shalt  }
0x7e: {  	_ =	shalt  }
0x7f: {  	_ =	shalt  }
0x80: {  	_ =	shalt  }
0x81: {  	_ =	shalt  }
0x82: {  	_ =	shalt  }
0x83: {  	_ =	shalt  }
0x84: {  	_ =	shalt  }
0x85: {  	_ =	shalt  }
0x86: {  	_ =	shalt  }
0x87: {  	_ =	shalt  }
.Lfunc_end0:
.L_simem_size_0:
called_computation.4_lowered:
.L_overlay_start_0:
0x88: {  	s2 =	sld [smem:$0x3FD9]  }
0x89: {  	s3 =	sld [smem:$0x3FFE];
	_ =	sdelay $0x1  }
0x8a: {  	s1 =	srdreg.scid  }
0x8b: {  	s0 =	sand.u32 $0x1, s1  }
0x8c: {  	s16 =	sshll.u32 s0, $0xA;
	s2 =	sadd.s32 s3, s2  }
0x8d: {  	s2 =	sadd.s32 s2, s16  }
0x8e: {  	[smem:$0x3FBA] =	sst s2  }
0x8f: {  	_ = 	snop  }
0x90: {  	(tm) =	ssettm $0x1  }
0x91: {  	s17 =	sld [smem:$0x3FFB];
	_ =	sdelay $0x3  }
0x92: {  	_ =	strace s17  }
0x93: {  	s2 =	sld [smem:$0x3FFC];
	_ =	sdelay $0x3  }
0x94: {  	_ =	strace s2  }
0x95: {  	s2 =	sld [smem:$0x3FFD];
	_ =	sdelay $0x3  }
0x96: {  	_ =	strace s2  }
0x97: {  	_ =	strace $0x8FFFFFFF  }
0x98: {  	s18 =	sld [smem:$0x3FDB];
	_ =	sdelay $0x1  }
0x99: {  	s19 =	simm.s32 $_scs_section_size  }
0x9a: {  	s4 =	simm.s32 $_size__tile_overlayer_lowered;
	s5 =	simm.s32 $_tile_overlayer_lowered  }
0x9b: {  	s22 =	simm.s32 $0x1BFF;
	s21 =	sshll.u32 s5, $0x1;
	s2 =	sadd.s32 s19, s18  }
0x9c: {  	s6 =	simm.s32 $0x0;
	s20 =	sshll.u32 s4, $0x1;
	s4 =	sadd.s32 s21, s2  }
0x9d: {  	[timem:s6], [sflag:s22] =	dma.local [hbm:s4], s20  }
0x9e: {  	_ =	swait.ge [sflag:s22], s20  }
0x9f: {  	s3 =	ssub.s32 $0x0, s20;
	[sflag:s22] =	ssyncset.done $0x0  }
0xa0: {  	[sflag:s22] =	ssyncadd.s32 s3;
	_ =	sdelay $0x1  }
0xa1: {  	s23 =	simm.s32 $0x1B8B  }
0xa2: {  	_ =	swait.ge [sflag:s23], $0x1  }
0xa3: {  	[sflag:s23] =	ssyncset.done $0x0  }
0xa4: {  	s25 =	simm.s32 $0x1B8E;
	s24 =	sld [smem:$0x3FFE];
	[sflag:s23] =	ssyncadd.s32 $0xFFFFFFFF  }
0xa5: {  	s26 =	simm.s32 $execute0_lowered;
	[smem:$0x3FD2] =	sst s25  }
0xa6: {  	s4 =	sshll.u32 s26, $0x1;
	_ =	strace $0x80000052;
	[dreg:$0x1] =	wrdreg $0xFFFFFFFF  }
0xa7: {  	s28 =	simm.s32 $_size_execute0_lowered;
	s2 =	sadd.s32 s2, s4;
	[dreg:$0x0] =	wrdreg $0x0  }
0xa8: {  	s4 =	sshll.u32 s28, $0x1;
	[dreg:$0x2] =	wrdreg s2  }
0xa9: {  	[dreg:$0x3] =	wrdreg s4  }
0xaa: {  	[dreg:$0x4] =	wrdreg $0xC0  }
0xab: {  	_ =	task [dreg:s6], $0x5FFFF  }
0xac: {  	[dreg:$0x1] =	wrdreg $0xFFFFFFFF  }
0xad: {  	[dreg:$0x0] =	wrdreg $0x60  }
0xae: {  	[dreg:$0x2] =	wrdreg s24  }
0xaf: {  	[dreg:$0x3] =	wrdreg $0x40800  }
0xb0: {  	[dreg:$0x4] =	wrdreg $0x9  }
0xb1: {  	_ =	task.clear_ibuf [dreg:s6], $0x5FFFF;
	_ =	strace $0x90000052  }
0xb2: {  	s29 =	simm.s32 $0x9;
	_ =	strace $0x80000054  }
0xb3: {  	_ =	swait.ge [sflag:s29], $0x1  }
0xb4: {  	[sflag:s29] =	ssyncadd.s32 $0xFFFFFFFF  }
0xb5: {  	_ =	strace $0x90000054  }
0xb6: {  	_ =	sfence  }
0xb7: {  	s30 =	sld [smem:$0x0];
	_ =	sdelay $0x2  }
0xb8: {  	s31 =	sshll.u32 s1, $0xD;
	s1 =	sshrl.u32 s1, $0x2  }
0xb9: {  	s3 =	sand.u32 $0x4000, s31;
	s1 =	sadd.s32 s1, s30  }
0xba: {  	s0 =	sor.u32 s3, s0;
	s1 =	sshll.u32 s1, $0x11  }
0xbb: {  	s0 =	sor.u32 s1, s0  }
0xbc: {  	s0 =	sadd.s32 $0x8F2B, s0  }
0xbd: {  	[sflag:s0] =	ssyncadd.remote.s32 $0x1  }
0xbe: {  	_ =	sfence.sel $0xFFFF  }
0xbf: {  	[dreg:$0x0] =	wrdreg $0xFFFFFFFF;
	(pc) =	sbr.abs _section_cstart, $3  }
0xc0: {  	[dreg:$0x1] =	wrdreg $0xFFFFFFFF  }
0xc1: {  	_ =	task.clear_ibuf [dreg:s6], $0x2FFFF;
	_ =	strace $0x9FFFFFFF  }
0xc2: {  	(tm) =	ssettm $0x7FFFFFFF  }
0xc3: {  	_ =	shalt  }
tec
execute0_lowered:
.L_overlay_start_1:
0x0: {  	(tag) =	ssettag $0x1  }
0x1: {  	s4 =	rddreg [dreg:$0x0]  }
0x2: {  	s1 =	rddreg [dreg:$0x1];
	s3 =	srdreg.scid  }
0x3: {  	s0 =	rddreg [dreg:$0x2];
	s2 =	simm.s32 $0x0;
	s6 =	sand.u32 $0x1, s3  }
0x4: {  	[smem:$0x7FF] =	sst s2;
	s5 =	smul.u32 $0xE0000, s6  }
0x5: {  	s3 =	stileid.u32;
	s7 =	smul.u32 $0x1C00, s6  }
0x6: {  	_ =	strace $0x80000053;
	s25 =	smul.u32 $0x480, s3;
	s26 =	ssub.s32 $0x2, s6  }
0x7: {  	s10 =	smul.u32 $0x9000, s3;
	s11 =	sshll.u32 s3, $0xA;
	s29 =	sshll.u32 s3, $0x6  }
0x8: {  	s6 =	sshll.u32 s6, $0xE;
	s30 =	smul.u32 $0xE000, s3;
	s31 =	sshll.u32 s3, $0xD  }
0x9: {  	s13 =	smul.u32 $0x1C0, s3;
	s12 =	sshrl.u32 s26, $0x1;
	s11 =	sadd.s32 s11, s4  }
0xa: {  	s14 =	sadd.s32 s31, s1;
	s8 =	sadd.s32 s5, s4;
	s9 =	sadd.s32 s7, s4  }
0xb: {  	s5 =	sadd.s32 s25, s4;
	s7 =	ssub.s32 s26, s12;
	s28 =	sshrl.u32 s10, $0x2  }
0xc: {  	s6 =	sadd.s32 s6, s11;
	s11 =	simm.s32 $0x1;
	s12 =	simm.s32 $0x80  }
0xd: {  	s10 =	sadd.s32 s28, s1;
	s4 =	sadd.s32 $0x1E00, s5;
	s5 =	sor.u32 $0x1C01, s29  }
0xe: {  	s6 =	sadd.s32 $0x6600, s6;
	s8 =	sadd.s32 s30, s8;
	s7 =	smax.u32 s7, $0x1  }
0xf: {  	s9 =	sadd.s32 s13, s9;
	s13 =	sshrl.u32 s14, $0x3;
	s14 =	simm.s32 $0x0  }
0x10: {  	s8 =	sadd.s32 $0x2A2000, s8;
	s9 =	sadd.s32 $0x7E4600, s9;
	s10 =	sshrl.u32 s10, $0x3  }
.LBB2_1:
0x11: {  	[spmem:s10], [sflag:s5] =	dma.local [hbm:s4], $0x480  }
0x12: {  	_ =	swait.ge [sflag:s11], $0x480  }
0x13: {  	[sflag:s11] =	ssyncset.done $0x0  }
0x14: {  	[sflag:s11] =	ssyncadd.s32 $0xFFFFFB80  }
0x15: {  	s15 =	sadd.s32 $0x0, s9;
	[bflag:$0x0] =	sbarrier.arrive $0xFFFF  }
0x16: {  	[tilespmem:s2], [sflag:$0x1] =	stream.linear.gather [hbm4b:s15+s2], $0x80, $0x38;
	[tilespmem:$0x6480] =	vst v63  }
0x17: {  	_ =	swait.ge [sflag:s11], $0x80  }
0x18: {  	[sflag:s11] =	ssyncset.done $0x0  }
0x19: {  	[sflag:s11] =	ssyncadd.s32 $0xFFFFFF80  }
0x1a: {  	[tilespmem:s12], [sflag:$0x1] =	stream.linear.gather [hbm4b:s8+s2], $0x4000, $0x38;
	[tilespmem:$0x6480] =	vst v63  }
0x1b: {  	_ =	swait.ge [sflag:s11], $0x4000  }
0x1c: {  	[sflag:s11] =	ssyncset.done $0x0  }
0x1d: {  	[sflag:s11] =	ssyncadd.s32 $0xFFFFC000  }
0x1e: {  	[spmem:s1] =	stream.indirect.scatter.add.f32 [tilespmem:s12], [sflag:$0x1], $0x80, s2, s12, $0xb8;
	[tilespmem:$0x6480] =	vst v63  }
0x1f: {  	s16 =	simm.s32 $0x10;
	_ =	swait.ge [sflag:s11], $0x4000  }
0x20: {  	s17 =	simm.s32 $0x20;
	s15 =	sadd.s32 $0x800, s8;
	[sflag:s11] =	ssyncset.done $0x0  }
.LBB2_2:
0x21: {  	s18 =	sadd.s32 s16, s9  }
0x22: {  	[sflag:s11] =	ssyncadd.s32 $0xFFFFC000;
	s16 =	smov.u32 s17;
	s19 =	sadd.s32 $0x10, s17  }
0x23: {  	[tilespmem:s2], [sflag:$0x1] =	stream.linear.gather [hbm4b:s18+s2], $0x80, $0x38;
	[tilespmem:$0x6480] =	vst v63  }
0x24: {  	p0 =	sne.s32 s17, $0x1B0;
	_ =	swait.ge [sflag:s11], $0x80  }
0x25: {  	[sflag:s11] =	ssyncset.done $0x0  }
0x26: {  	[sflag:s11] =	ssyncadd.s32 $0xFFFFFF80  }
0x27: {  	[tilespmem:s12], [sflag:$0x1] =	stream.linear.gather [hbm4b:s15+s2], $0x4000, $0x38;
	[tilespmem:$0x6480] =	vst v63  }
0x28: {  	_ =	swait.ge [sflag:s11], $0x4000  }
.Ltmp0:
0x29: {  	[sflag:s11] =	ssyncset.done $0x0;
	(pc) =	sbr.rel @p0 .LBB2_2-.Ltmp0, $4  }
0x2a: {  	[sflag:s11] =	ssyncadd.s32 $0xFFFFC000  }
0x2b: {  	[spmem:s1] =	stream.indirect.scatter.add.f32 [tilespmem:s12], [sflag:$0x1], $0x80, s2, s12, $0xb8;
	[tilespmem:$0x6480] =	vst v63  }
0x2c: {  	_ =	swait.ge [sflag:s11], $0x4000  }
0x2d: {  	s17 =	smov.u32 s19;
	s15 =	sadd.s32 $0x800, s15;
	[sflag:s11] =	ssyncset.done $0x0  }
0x2e: {  	s16 =	sadd.s32 s16, s9;
	[sflag:s11] =	ssyncadd.s32 $0xFFFFC000  }
0x2f: {  	[tilespmem:s2], [sflag:$0x1] =	stream.linear.gather [hbm4b:s16+s2], $0x80, $0x38;
	[tilespmem:$0x6480] =	vst v63  }
0x30: {  	_ =	swait.ge [sflag:s11], $0x80  }
0x31: {  	[sflag:s11] =	ssyncset.done $0x0  }
0x32: {  	[sflag:s11] =	ssyncadd.s32 $0xFFFFFF80  }
0x33: {  	[tilespmem:s12], [sflag:$0x1] =	stream.linear.gather [hbm4b:s15+s2], $0x4000, $0x38;
	[tilespmem:$0x6480] =	vst v63  }
0x34: {  	_ =	swait.ge [sflag:s11], $0x4000  }
0x35: {  	[sflag:s11] =	ssyncset.done $0x0  }
0x36: {  	[sflag:s11] =	ssyncadd.s32 $0xFFFFC000  }
0x37: {  	[spmem:s1] =	stream.indirect.scatter.add.f32 [tilespmem:s12], [sflag:$0x1], $0x80, s2, s12, $0xb8;
	[tilespmem:$0x6480] =	vst v63  }
0x38: {  	_ =	swait.ge [sflag:s11], $0x4000  }
0x39: {  	s14 =	sadd.s32 $0x1, s14;
	[sflag:s11] =	ssyncset.done $0x0  }
0x3a: {  	p0 =	sne.s32 s14, s7;
	[sflag:s11] =	ssyncadd.s32 $0xFFFFC000  }
.Ltmp1:
0x3b: {  	[bflag:$0x0] =	sbarrier.arrive $0xFFFF;
	(pc) =	sbr.rel @p0 .LBB2_1-.Ltmp1, $4  }
0x3c: {  	[hbm:s6], [sflag:s5] =	dma.local [spmem:s13], $0x400  }
0x3d: {  	_ =	swait.ge [sflag:s11], $0x400  }
0x3e: {  	[sflag:s11] =	ssyncset.done $0x0  }
0x3f: {  	[sflag:s11] =	ssyncadd.s32 $0xFFFFFC00  }
0x40: {  	_ =	sfence.sel $0x180000  }
0x41: {  	[bflag:$0x0] =	sbarrier.arrive $0xFFFF  }
0x42: {  	p0 =	sne.s32 s3, $0x0;
	_ =	strace $0x90000053  }
0x43: {  	s0 =	sadd.s32 @!p0 $0x100000, s0;
	[bflag:$0x2] =	sbarrier.arrive $0xFFFF  }
0x44: {  	[sflag:s0] =	ssyncadd.tile.s32 @!p0 $0x1;
	_ =	shalt  }
.Lfunc_end2:
_tile_overlayer_lowered:
.L_overlay_start_2:
0x45: {  	(tag) =	ssettag $0x2  }
0x46: {  	s0 =	rddreg [dreg:$0x0];
	s2 =	stileid.u32  }
0x47: {  	s1 =	rddreg [dreg:$0x1];
	p0 =	sne.s32 s2, $0x0  }
0x48: {  	s3 =	rddreg [dreg:$0x2];
	[bflag:$0x3] =	sbarrier.arrive $0xFFFF;
	s2 =	simm.s32 @!p0 $0x1C01  }
0x49: {  	[timem:s3], [sflag:s2] =	dma.local @!p0 [hbm:s0], s1  }
0x4a: {  	s0 =	simm.s32 @!p0 $0x1  }
0x4b: {  	_ =	swait.ge @!p0 [sflag:s0], s1  }
0x4c: {  	s1 =	ssub.s32 @!p0 $0x0, s1;
	[sflag:s0] =	ssyncset.done @!p0 $0x0  }
0x4d: {  	[sflag:s0] =	ssyncadd.s32 @!p0 s1  }
0x4e: {  	[bflag:$0x3] =	sbarrier.arrive $0xFFFF  }
0x4f: {  	_ =	shalt  }

</sc_bundles>
